<compile_context>
chip_gen: v7x
topology: tpu7x:2x2x1
jax: 0.10.2.dev20260603
libtpu: 0.0.44.dev20260713+nightly
codegen_flags: <defaults>
</compile_context>

<pallas_src>
import functools

import jax
import jax.numpy as jnp
from jax import lax
from jax.experimental import pallas as pl
from jax.experimental.pallas import tpu as pltpu
from jax.experimental.pallas import tpu_sc as plsc

B = 16384
D = 32
GA_COLS = 2 * D
OUT_COLS = 4 * D + 1

NC = 2
NS = 16
NW = NC * NS
ROWS_PER_W = B // NW
CHUNK = 128
NCHUNK = ROWS_PER_W // CHUNK


def _sc_body(uid_hbm, zip_hbm, ga_hbm, mean_hbm, inv_hbm,
             emb_uid, emb_zip, emb_ga, out_hbm,
             idx_v, ebuf, gabuf, cbuf, stat_v, sem, wsem):
  wid = lax.axis_index("s") * NC + lax.axis_index("c")
  base = wid * ROWS_PER_W

  ids = (uid_hbm, zip_hbm, ga_hbm)
  for f in range(3):
    pltpu.sync_copy(ids[f].at[pl.ds(wid * NCHUNK, NCHUNK)], idx_v.at[f])
  cps = []
  for f, (tab, dst) in enumerate(((emb_uid, ebuf.at[0]),
                                  (emb_zip, ebuf.at[1]),
                                  (emb_ga, gabuf))):
    for j in range(NCHUNK):
      cps.append(pltpu.async_copy(
          tab.at[idx_v.at[f, j]],
          dst.at[pl.ds(j * CHUNK, CHUNK)], sem))

  pltpu.sync_copy(mean_hbm, stat_v.at[0])
  pltpu.sync_copy(inv_hbm, stat_v.at[1])
  mean = stat_v[0, :]
  inv = stat_v[1, :]
  zero = jnp.zeros((16,), jnp.int32)
  seven = jnp.full((16,), 7, jnp.int32)
  for i in range(ROWS_PER_W // 16):
    j, off = divmod(i * 16, CHUNK)
    a = lax.bitwise_and(idx_v[2, j, pl.ds(off, 16)], seven)
    c = (a.astype(jnp.float32) - mean) * inv
    rows16 = lax.iota(jnp.int32, 16) + i * 16
    plsc.store_scatter(cbuf, [rows16, zero], c)

  for cp in cps:
    cp.wait()

  rows = pl.ds(base, ROWS_PER_W)
  wps = [
      pltpu.async_copy(ebuf.at[0], out_hbm.at[rows, pl.ds(0, D)], wsem),
      pltpu.async_copy(ebuf.at[1], out_hbm.at[rows, pl.ds(D, D)], wsem),
      pltpu.async_copy(gabuf, out_hbm.at[rows, pl.ds(2 * D, GA_COLS)], wsem),
      pltpu.async_copy(cbuf, out_hbm.at[rows, pl.ds(4 * D, 1)], wsem),
  ]
  for wp in wps:
    wp.wait()


@jax.jit
def _run(uid2, zip2, ga2, mean16, inv16, emb_uid, emb_zip, emb_ga):
  mesh = plsc.VectorSubcoreMesh(core_axis_name="c", subcore_axis_name="s")
  return pl.kernel(
      _sc_body,
      out_type=jax.ShapeDtypeStruct((B, OUT_COLS), jnp.float32),
      mesh=mesh,
      scratch_types=[
          pltpu.VMEM((3, NCHUNK, CHUNK), jnp.int32),
          pltpu.VMEM((2, ROWS_PER_W, D), jnp.float32),
          pltpu.VMEM((ROWS_PER_W, GA_COLS), jnp.float32),
          pltpu.VMEM((ROWS_PER_W, 1), jnp.float32),
          pltpu.VMEM((2, 16), jnp.float32),
          pltpu.SemaphoreType.DMA,
          pltpu.SemaphoreType.DMA,
      ],
      compiler_params=pltpu.CompilerParams(use_tc_tiling_on_sc=False,
                                           needs_layout_passes=False),
  )(uid2, zip2, ga2, mean16, inv16, emb_uid, emb_zip, emb_ga)


def kernel(user_id, user_zip_code, user_gender, bucketized_user_age,
           emb_user_id, emb_zip, emb_gender, emb_age, norm_mean, norm_var):
  inv_std = 1.0 / jnp.sqrt(norm_var + 1e-6)
  n_age = emb_age.shape[0]
  n_gen = emb_gender.shape[0]
  emb_ga = jnp.concatenate([
      jnp.repeat(emb_gender, n_age, axis=0),
      jnp.tile(emb_age, (n_gen, 1)),
  ], axis=1)
  ga_idx = user_gender * n_age + bucketized_user_age
  mean16 = jnp.broadcast_to(norm_mean, (16,))
  inv16 = jnp.broadcast_to(inv_std, (16,))
  shape2 = (NW * NCHUNK, CHUNK)
  return _run(user_id.reshape(shape2), user_zip_code.reshape(shape2),
              ga_idx.reshape(shape2), mean16, inv16,
              emb_user_id, emb_zip, emb_ga)

# --- scband reference (transcript-rebuilt; emitter-appended) ---
"""Pipeline reference for scband-user-model-83829171683499 (READ-ONLY COPY).

The authoritative reference and input builder live on the scoring server;
editing this copy changes nothing except your own understanding.
"""

import jax, jax.numpy as jnp
import numpy as np

B = 16384
V_UID = 1000000
V_ZIP = 100000
V_GENDER = 2
V_AGE = 7
D = 32


def setup_inputs(seed: int = 0) -> dict:
    key = jax.random.key(seed)
    k = jax.random.split(key, 10)
    # Forward inputs: pre-looked-up integer ids (StringLookup/IntegerLookup output),
    # valid range is [0, len(vocab)] because Embedding has len(vocab)+1 rows (OOV row).
    user_id = jax.random.randint(k[0], (B,), 0, V_UID + 1, dtype=jnp.int32)
    user_zip_code = jax.random.randint(k[1], (B,), 0, V_ZIP + 1, dtype=jnp.int32)
    user_gender = jax.random.randint(k[2], (B,), 0, V_GENDER + 1, dtype=jnp.int32)
    bucketized_user_age = jax.random.randint(k[3], (B,), 0, V_AGE + 1, dtype=jnp.int32)
    # Learned parameters (embedding tables sized vocab+1 x 32, plus adapted
    # Normalization statistics for the continuous age feature).
    emb_user_id = jax.random.normal(k[4], (V_UID + 1, D), dtype=jnp.float32) * 0.05
    emb_zip = jax.random.normal(k[5], (V_ZIP + 1, D), dtype=jnp.float32) * 0.05
    emb_gender = jax.random.normal(k[6], (V_GENDER + 1, D), dtype=jnp.float32) * 0.05
    emb_age = jax.random.normal(k[7], (V_AGE + 1, D), dtype=jnp.float32) * 0.05
    norm_mean = jnp.asarray(3.5, dtype=jnp.float32)
    norm_var = jnp.asarray(4.0, dtype=jnp.float32)
    return {
        "user_id": user_id,
        "user_zip_code": user_zip_code,
        "user_gender": user_gender,
        "bucketized_user_age": bucketized_user_age,
        "emb_user_id": emb_user_id,
        "emb_zip": emb_zip,
        "emb_gender": emb_gender,
        "emb_age": emb_age,
        "norm_mean": norm_mean,
        "norm_var": norm_var,
    }


def reference(user_id, user_zip_code, user_gender, bucketized_user_age,
              emb_user_id, emb_zip, emb_gender, emb_age, norm_mean, norm_var):
    # all_features order: user_id, user_zip_code, user_gender,
    # bucketized_user_age (categorical embedding), bucketized_user_age (normalized scalar)
    e1 = jnp.take(emb_user_id, user_id, axis=0)
    e2 = jnp.take(emb_zip, user_zip_code, axis=0)
    e3 = jnp.take(emb_gender, user_gender, axis=0)
    e4 = jnp.take(emb_age, bucketized_user_age, axis=0)
    # tf.keras.layers.Normalization(axis=None): (x - mean) / sqrt(var)
    cont = (bucketized_user_age.astype(jnp.float32) - norm_mean) / jnp.sqrt(norm_var + 1e-6)
    cont = jnp.reshape(cont, (-1, 1))
    return jnp.concatenate([e1, e2, e3, e4, cont], axis=1)

if __name__ == "__main__":
    import jax
    _d = setup_inputs()
    print(jax.jit(kernel)(*tuple(_d.values())))

</pallas_src>

<mosaic_0001>
#map = affine_map<(d0, d1) -> (0, 0)>
#map1 = affine_map<(d0, d1) -> (0)>
module attributes {stable_mosaic.version = 14 : i64} {
  func.func @_sc_body(%arg0: i32, %arg1: i32, %arg2: memref<128x128xi32, #tpu.memory_space<hbm>>, %arg3: memref<128x128xi32, #tpu.memory_space<hbm>>, %arg4: memref<128x128xi32, #tpu.memory_space<hbm>>, %arg5: memref<16xf32, #tpu.memory_space<hbm>>, %arg6: memref<16xf32, #tpu.memory_space<hbm>>, %arg7: memref<1000001x32xf32, #tpu.memory_space<hbm>>, %arg8: memref<100001x32xf32, #tpu.memory_space<hbm>>, %arg9: memref<24x64xf32, #tpu.memory_space<hbm>>, %arg10: memref<16384x129xf32, #tpu.memory_space<hbm>>, %arg11: memref<3x4x128xi32, #tpu.memory_space<vmem>>, %arg12: memref<2x512x32xf32, #tpu.memory_space<vmem>>, %arg13: memref<512x64xf32, #tpu.memory_space<vmem>>, %arg14: memref<512x1xf32, #tpu.memory_space<vmem>>, %arg15: memref<2x16xf32, #tpu.memory_space<vmem>>, %arg16: memref<!tpu.dma_semaphore, #tpu.memory_space<semaphore_mem>>, %arg17: memref<!tpu.dma_semaphore, #tpu.memory_space<semaphore_mem>>) attributes {dimension_semantics = [#tpu.dimension_semantics<core_parallel>, #tpu.dimension_semantics<subcore_parallel>], iteration_bounds = array<i64: 2, 16>, scalar_prefetch = 0 : i64, scratch_operands = 7 : i64, tpu.core_type = #tpu.core_type<sc_vector_subcore>, window_params = [{transform_indices = #map}, {transform_indices = #map}, {transform_indices = #map}, {transform_indices = #map1}, {transform_indices = #map1}, {transform_indices = #map}, {transform_indices = #map}, {transform_indices = #map}, {transform_indices = #map}]} {
    %mul3A = arith.constant 2 : i32
    %mul3A_0 = arith.muli %arg1, %mul3A : i32
    %add3A = arith.addi %mul3A_0, %arg0 : i32
    %mul3A_1 = arith.constant 512 : i32
    %mul3A_2 = arith.muli %add3A, %mul3A_1 : i32
    %mul3A_3 = arith.constant 4 : i32
    %mul3A_4 = arith.muli %add3A, %mul3A_3 : i32
    %run_scoped3A = arith.constant 0 : i32
    "tpu.region"() ({
      %run_scoped3A_877 = tpu.sem_alloc : memref<!tpu.dma_semaphore, #tpu.memory_space<semaphore_mem>>
      %dma_start3A_878 = arith.constant 0 : i32
      %dma_start3A_879 = arith.constant 0 : i32
      %dma_start3A_880 = tpu.memref_slice %arg11[%run_scoped3A, %dma_start3A_878, %dma_start3A_879] : memref<3x4x128xi32, #tpu.memory_space<vmem>> -> memref<1x4x128xi32, #tpu.memory_space<vmem>>
      %dma_start3A_881 = tpu.memref_squeeze %dma_start3A_880 : memref<1x4x128xi32, #tpu.memory_space<vmem>> -> memref<4x128xi32, #tpu.memory_space<vmem>>
      %dma_start3A_882 = arith.constant 0 : i32
      %dma_start3A_883 = tpu.memref_slice %arg2[%mul3A_4, %dma_start3A_882] : memref<128x128xi32, #tpu.memory_space<hbm>> -> memref<4x128xi32, #tpu.memory_space<hbm>>
      %dma_start3A_884 = arith.constant 0 : i32
      %dma_start3A_885 = arith.constant 0 : i32
      %dma_start3A_886 = tpu.memref_slice %arg11[%run_scoped3A, %dma_start3A_884, %dma_start3A_885] : memref<3x4x128xi32, #tpu.memory_space<vmem>> -> memref<1x4x128xi32, #tpu.memory_space<vmem>>
      %dma_start3A_887 = tpu.memref_squeeze %dma_start3A_886 : memref<1x4x128xi32, #tpu.memory_space<vmem>> -> memref<4x128xi32, #tpu.memory_space<vmem>>
      %dma_start3A_888 = arith.constant 0 : i32
      %dma_start3A_889 = tpu.memref_slice %arg2[%mul3A_4, %dma_start3A_888] : memref<128x128xi32, #tpu.memory_space<hbm>> -> memref<4x128xi32, #tpu.memory_space<hbm>>
      tpu.enqueue_dma source(%dma_start3A_889 : memref<4x128xi32, #tpu.memory_space<hbm>>) target(%dma_start3A_887 : memref<4x128xi32, #tpu.memory_space<vmem>>) target_semaphore(%run_scoped3A_877 : memref<!tpu.dma_semaphore, #tpu.memory_space<semaphore_mem>>)
      %dma_wait3A_890 = arith.constant 0 : i32
      %dma_wait3A_891 = arith.constant 0 : i32
      %dma_wait3A_892 = tpu.memref_slice %arg11[%run_scoped3A, %dma_wait3A_890, %dma_wait3A_891] : memref<3x4x128xi32, #tpu.memory_space<vmem>> -> memref<1x4x128xi32, #tpu.memory_space<vmem>>
      %dma_wait3A_893 = tpu.memref_squeeze %dma_wait3A_892 : memref<1x4x128xi32, #tpu.memory_space<vmem>> -> memref<4x128xi32, #tpu.memory_space<vmem>>
      %dma_wait3A_894 = arith.constant 0 : i32
      %dma_wait3A_895 = tpu.memref_slice %arg2[%mul3A_4, %dma_wait3A_894] : memref<128x128xi32, #tpu.memory_space<hbm>> -> memref<4x128xi32, #tpu.memory_space<hbm>>
      %dma_wait3A_896 = arith.constant 0 : i32
      %dma_wait3A_897 = arith.constant 0 : i32
      %dma_wait3A_898 = tpu.memref_slice %arg11[%run_scoped3A, %dma_wait3A_896, %dma_wait3A_897] : memref<3x4x128xi32, #tpu.memory_space<vmem>> -> memref<1x4x128xi32, #tpu.memory_space<vmem>>
      %dma_wait3A_899 = tpu.memref_squeeze %dma_wait3A_898 : memref<1x4x128xi32, #tpu.memory_space<vmem>> -> memref<4x128xi32, #tpu.memory_space<vmem>>
      %dma_wait3A_900 = arith.constant 0 : i32
      %dma_wait3A_901 = tpu.memref_slice %arg2[%mul3A_4, %dma_wait3A_900] : memref<128x128xi32, #tpu.memory_space<hbm>> -> memref<4x128xi32, #tpu.memory_space<hbm>>
      tpu.wait_dma2 semaphore(%run_scoped3A_877 : memref<!tpu.dma_semaphore, #tpu.memory_space<semaphore_mem>>) src(%dma_wait3A_901 : memref<4x128xi32, #tpu.memory_space<hbm>>) dst(%dma_wait3A_899 : memref<4x128xi32, #tpu.memory_space<vmem>>)
      tpu.yield
    }) : () -> ()
    %mul3A_5 = arith.constant 4 : i32
    %mul3A_6 = arith.muli %add3A, %mul3A_5 : i32
    %run_scoped3A_7 = arith.constant 1 : i32
    "tpu.region"() ({
      %run_scoped3A_877 = tpu.sem_alloc : memref<!tpu.dma_semaphore, #tpu.memory_space<semaphore_mem>>
      %dma_start3A_878 = arith.constant 0 : i32
      %dma_start3A_879 = arith.constant 0 : i32
      %dma_start3A_880 = tpu.memref_slice %arg11[%run_scoped3A_7, %dma_start3A_878, %dma_start3A_879] : memref<3x4x128xi32, #tpu.memory_space<vmem>> -> memref<1x4x128xi32, #tpu.memory_space<vmem>>
      %dma_start3A_881 = tpu.memref_squeeze %dma_start3A_880 : memref<1x4x128xi32, #tpu.memory_space<vmem>> -> memref<4x128xi32, #tpu.memory_space<vmem>>
      %dma_start3A_882 = arith.constant 0 : i32
      %dma_start3A_883 = tpu.memref_slice %arg3[%mul3A_6, %dma_start3A_882] : memref<128x128xi32, #tpu.memory_space<hbm>> -> memref<4x128xi32, #tpu.memory_space<hbm>>
      %dma_start3A_884 = arith.constant 0 : i32
      %dma_start3A_885 = arith.constant 0 : i32
      %dma_start3A_886 = tpu.memref_slice %arg11[%run_scoped3A_7, %dma_start3A_884, %dma_start3A_885] : memref<3x4x128xi32, #tpu.memory_space<vmem>> -> memref<1x4x128xi32, #tpu.memory_space<vmem>>
      %dma_start3A_887 = tpu.memref_squeeze %dma_start3A_886 : memref<1x4x128xi32, #tpu.memory_space<vmem>> -> memref<4x128xi32, #tpu.memory_space<vmem>>
      %dma_start3A_888 = arith.constant 0 : i32
      %dma_start3A_889 = tpu.memref_slice %arg3[%mul3A_6, %dma_start3A_888] : memref<128x128xi32, #tpu.memory_space<hbm>> -> memref<4x128xi32, #tpu.memory_space<hbm>>
      tpu.enqueue_dma source(%dma_start3A_889 : memref<4x128xi32, #tpu.memory_space<hbm>>) target(%dma_start3A_887 : memref<4x128xi32, #tpu.memory_space<vmem>>) target_semaphore(%run_scoped3A_877 : memref<!tpu.dma_semaphore, #tpu.memory_space<semaphore_mem>>)
      %dma_wait3A_890 = arith.constant 0 : i32
      %dma_wait3A_891 = arith.constant 0 : i32
      %dma_wait3A_892 = tpu.memref_slice %arg11[%run_scoped3A_7, %dma_wait3A_890, %dma_wait3A_891] : memref<3x4x128xi32, #tpu.memory_space<vmem>> -> memref<1x4x128xi32, #tpu.memory_space<vmem>>
      %dma_wait3A_893 = tpu.memref_squeeze %dma_wait3A_892 : memref<1x4x128xi32, #tpu.memory_space<vmem>> -> memref<4x128xi32, #tpu.memory_space<vmem>>
      %dma_wait3A_894 = arith.constant 0 : i32
      %dma_wait3A_895 = tpu.memref_slice %arg3[%mul3A_6, %dma_wait3A_894] : memref<128x128xi32, #tpu.memory_space<hbm>> -> memref<4x128xi32, #tpu.memory_space<hbm>>
      %dma_wait3A_896 = arith.constant 0 : i32
      %dma_wait3A_897 = arith.constant 0 : i32
      %dma_wait3A_898 = tpu.memref_slice %arg11[%run_scoped3A_7, %dma_wait3A_896, %dma_wait3A_897] : memref<3x4x128xi32, #tpu.memory_space<vmem>> -> memref<1x4x128xi32, #tpu.memory_space<vmem>>
      %dma_wait3A_899 = tpu.memref_squeeze %dma_wait3A_898 : memref<1x4x128xi32, #tpu.memory_space<vmem>> -> memref<4x128xi32, #tpu.memory_space<vmem>>
      %dma_wait3A_900 = arith.constant 0 : i32
      %dma_wait3A_901 = tpu.memref_slice %arg3[%mul3A_6, %dma_wait3A_900] : memref<128x128xi32, #tpu.memory_space<hbm>> -> memref<4x128xi32, #tpu.memory_space<hbm>>
      tpu.wait_dma2 semaphore(%run_scoped3A_877 : memref<!tpu.dma_semaphore, #tpu.memory_space<semaphore_mem>>) src(%dma_wait3A_901 : memref<4x128xi32, #tpu.memory_space<hbm>>) dst(%dma_wait3A_899 : memref<4x128xi32, #tpu.memory_space<vmem>>)
      tpu.yield
    }) : () -> ()
    %mul3A_8 = arith.constant 4 : i32
    %mul3A_9 = arith.muli %add3A, %mul3A_8 : i32
    %run_scoped3A_10 = arith.constant 2 : i32
    "tpu.region"() ({
      %run_scoped3A_877 = tpu.sem_alloc : memref<!tpu.dma_semaphore, #tpu.memory_space<semaphore_mem>>
      %dma_start3A_878 = arith.constant 0 : i32
      %dma_start3A_879 = arith.constant 0 : i32
      %dma_start3A_880 = tpu.memref_slice %arg11[%run_scoped3A_10, %dma_start3A_878, %dma_start3A_879] : memref<3x4x128xi32, #tpu.memory_space<vmem>> -> memref<1x4x128xi32, #tpu.memory_space<vmem>>
      %dma_start3A_881 = tpu.memref_squeeze %dma_start3A_880 : memref<1x4x128xi32, #tpu.memory_space<vmem>> -> memref<4x128xi32, #tpu.memory_space<vmem>>
      %dma_start3A_882 = arith.constant 0 : i32
      %dma_start3A_883 = tpu.memref_slice %arg4[%mul3A_9, %dma_start3A_882] : memref<128x128xi32, #tpu.memory_space<hbm>> -> memref<4x128xi32, #tpu.memory_space<hbm>>
      %dma_start3A_884 = arith.constant 0 : i32
      %dma_start3A_885 = arith.constant 0 : i32
      %dma_start3A_886 = tpu.memref_slice %arg11[%run_scoped3A_10, %dma_start3A_884, %dma_start3A_885] : memref<3x4x128xi32, #tpu.memory_space<vmem>> -> memref<1x4x128xi32, #tpu.memory_space<vmem>>
      %dma_start3A_887 = tpu.memref_squeeze %dma_start3A_886 : memref<1x4x128xi32, #tpu.memory_space<vmem>> -> memref<4x128xi32, #tpu.memory_space<vmem>>
      %dma_start3A_888 = arith.constant 0 : i32
      %dma_start3A_889 = tpu.memref_slice %arg4[%mul3A_9, %dma_start3A_888] : memref<128x128xi32, #tpu.memory_space<hbm>> -> memref<4x128xi32, #tpu.memory_space<hbm>>
      tpu.enqueue_dma source(%dma_start3A_889 : memref<4x128xi32, #tpu.memory_space<hbm>>) target(%dma_start3A_887 : memref<4x128xi32, #tpu.memory_space<vmem>>) target_semaphore(%run_scoped3A_877 : memref<!tpu.dma_semaphore, #tpu.memory_space<semaphore_mem>>)
      %dma_wait3A_890 = arith.constant 0 : i32
      %dma_wait3A_891 = arith.constant 0 : i32
      %dma_wait3A_892 = tpu.memref_slice %arg11[%run_scoped3A_10, %dma_wait3A_890, %dma_wait3A_891] : memref<3x4x128xi32, #tpu.memory_space<vmem>> -> memref<1x4x128xi32, #tpu.memory_space<vmem>>
      %dma_wait3A_893 = tpu.memref_squeeze %dma_wait3A_892 : memref<1x4x128xi32, #tpu.memory_space<vmem>> -> memref<4x128xi32, #tpu.memory_space<vmem>>
      %dma_wait3A_894 = arith.constant 0 : i32
      %dma_wait3A_895 = tpu.memref_slice %arg4[%mul3A_9, %dma_wait3A_894] : memref<128x128xi32, #tpu.memory_space<hbm>> -> memref<4x128xi32, #tpu.memory_space<hbm>>
      %dma_wait3A_896 = arith.constant 0 : i32
      %dma_wait3A_897 = arith.constant 0 : i32
      %dma_wait3A_898 = tpu.memref_slice %arg11[%run_scoped3A_10, %dma_wait3A_896, %dma_wait3A_897] : memref<3x4x128xi32, #tpu.memory_space<vmem>> -> memref<1x4x128xi32, #tpu.memory_space<vmem>>
      %dma_wait3A_899 = tpu.memref_squeeze %dma_wait3A_898 : memref<1x4x128xi32, #tpu.memory_space<vmem>> -> memref<4x128xi32, #tpu.memory_space<vmem>>
      %dma_wait3A_900 = arith.constant 0 : i32
      %dma_wait3A_901 = tpu.memref_slice %arg4[%mul3A_9, %dma_wait3A_900] : memref<128x128xi32, #tpu.memory_space<hbm>> -> memref<4x128xi32, #tpu.memory_space<hbm>>
      tpu.wait_dma2 semaphore(%run_scoped3A_877 : memref<!tpu.dma_semaphore, #tpu.memory_space<semaphore_mem>>) src(%dma_wait3A_901 : memref<4x128xi32, #tpu.memory_space<hbm>>) dst(%dma_wait3A_899 : memref<4x128xi32, #tpu.memory_space<vmem>>)
      tpu.yield
    }) : () -> ()
    %dma_start3A = arith.constant 0 : i32
    %dma_start3A_11 = arith.constant 0 : i32
    %dma_start3A_12 = arith.constant 0 : i32
    %dma_start3A_13 = arith.constant 0 : i32
    %dma_start3A_14 = arith.constant 0 : i32
    %dma_start3A_15 = tpu.memref_slice %arg12[%dma_start3A_12, %dma_start3A_13, %dma_start3A_14] : memref<2x512x32xf32, #tpu.memory_space<vmem>> -> memref<1x512x32xf32, #tpu.memory_space<vmem>>
    %dma_start3A_16 = tpu.memref_squeeze %dma_start3A_15 : memref<1x512x32xf32, #tpu.memory_space<vmem>> -> memref<512x32xf32, #tpu.memory_space<vmem>>
    %dma_start3A_17 = arith.constant 0 : i32
    %dma_start3A_18 = arith.constant 0 : i32
    %dma_start3A_19 = tpu.memref_slice %dma_start3A_16[%dma_start3A_17, %dma_start3A_18] : memref<512x32xf32, #tpu.memory_space<vmem>> -> memref<128x32xf32, #tpu.memory_space<vmem>>
    %dma_start3A_20 = arith.constant 0 : i32
    %dma_start3A_21 = tpu.memref_slice %arg11[%dma_start3A, %dma_start3A_11, %dma_start3A_20] : memref<3x4x128xi32, #tpu.memory_space<vmem>> -> memref<1x1x128xi32, #tpu.memory_space<vmem>>
    %dma_start3A_22 = tpu.memref_squeeze %dma_start3A_21 : memref<1x1x128xi32, #tpu.memory_space<vmem>> -> memref<128xi32, #tpu.memory_space<vmem>>
    %dma_start3A_23 = arith.constant 0 : i32
    %dma_start3A_24 = arith.constant 0 : i32
    %dma_start3A_25 = tpu.memref_slice %arg7[%dma_start3A_23, %dma_start3A_24] : memref<1000001x32xf32, #tpu.memory_space<hbm>> -> memref<1000001x32xf32, #tpu.memory_space<hbm>>
    tpu.enqueue_indirect_dma source(%dma_start3A_25 : memref<1000001x32xf32, #tpu.memory_space<hbm>>) target(%dma_start3A_19 : memref<128x32xf32, #tpu.memory_space<vmem>>) offsets(%dma_start3A_22 : memref<128xi32, #tpu.memory_space<vmem>>) semaphore(%arg16 : memref<!tpu.dma_semaphore, #tpu.memory_space<semaphore_mem>>)
    %dma_start3A_26 = arith.constant 0 : i32
    %dma_start3A_27 = arith.constant 1 : i32
    %dma_start3A_28 = arith.constant 0 : i32
    %dma_start3A_29 = arith.constant 0 : i32
    %dma_start3A_30 = arith.constant 0 : i32
    %dma_start3A_31 = tpu.memref_slice %arg12[%dma_start3A_28, %dma_start3A_29, %dma_start3A_30] : memref<2x512x32xf32, #tpu.memory_space<vmem>> -> memref<1x512x32xf32, #tpu.memory_space<vmem>>
    %dma_start3A_32 = tpu.memref_squeeze %dma_start3A_31 : memref<1x512x32xf32, #tpu.memory_space<vmem>> -> memref<512x32xf32, #tpu.memory_space<vmem>>
    %dma_start3A_33 = arith.constant 128 : i32
    %dma_start3A_34 = arith.constant 0 : i32
    %dma_start3A_35 = tpu.memref_slice %dma_start3A_32[%dma_start3A_33, %dma_start3A_34] : memref<512x32xf32, #tpu.memory_space<vmem>> -> memref<128x32xf32, #tpu.memory_space<vmem>>
    %dma_start3A_36 = arith.constant 0 : i32
    %dma_start3A_37 = tpu.memref_slice %arg11[%dma_start3A_26, %dma_start3A_27, %dma_start3A_36] : memref<3x4x128xi32, #tpu.memory_space<vmem>> -> memref<1x1x128xi32, #tpu.memory_space<vmem>>
    %dma_start3A_38 = tpu.memref_squeeze %dma_start3A_37 : memref<1x1x128xi32, #tpu.memory_space<vmem>> -> memref<128xi32, #tpu.memory_space<vmem>>
    %dma_start3A_39 = arith.constant 0 : i32
    %dma_start3A_40 = arith.constant 0 : i32
    %dma_start3A_41 = tpu.memref_slice %arg7[%dma_start3A_39, %dma_start3A_40] : memref<1000001x32xf32, #tpu.memory_space<hbm>> -> memref<1000001x32xf32, #tpu.memory_space<hbm>>
    tpu.enqueue_indirect_dma source(%dma_start3A_41 : memref<1000001x32xf32, #tpu.memory_space<hbm>>) target(%dma_start3A_35 : memref<128x32xf32, #tpu.memory_space<vmem>>) offsets(%dma_start3A_38 : memref<128xi32, #tpu.memory_space<vmem>>) semaphore(%arg16 : memref<!tpu.dma_semaphore, #tpu.memory_space<semaphore_mem>>)
    %dma_start3A_42 = arith.constant 0 : i32
    %dma_start3A_43 = arith.constant 2 : i32
    %dma_start3A_44 = arith.constant 0 : i32
    %dma_start3A_45 = arith.constant 0 : i32
    %dma_start3A_46 = arith.constant 0 : i32
    %dma_start3A_47 = tpu.memref_slice %arg12[%dma_start3A_44, %dma_start3A_45, %dma_start3A_46] : memref<2x512x32xf32, #tpu.memory_space<vmem>> -> memref<1x512x32xf32, #tpu.memory_space<vmem>>
    %dma_start3A_48 = tpu.memref_squeeze %dma_start3A_47 : memref<1x512x32xf32, #tpu.memory_space<vmem>> -> memref<512x32xf32, #tpu.memory_space<vmem>>
    %dma_start3A_49 = arith.constant 256 : i32
    %dma_start3A_50 = arith.constant 0 : i32
    %dma_start3A_51 = tpu.memref_slice %dma_start3A_48[%dma_start3A_49, %dma_start3A_50] : memref<512x32xf32, #tpu.memory_space<vmem>> -> memref<128x32xf32, #tpu.memory_space<vmem>>
    %dma_start3A_52 = arith.constant 0 : i32
    %dma_start3A_53 = tpu.memref_slice %arg11[%dma_start3A_42, %dma_start3A_43, %dma_start3A_52] : memref<3x4x128xi32, #tpu.memory_space<vmem>> -> memref<1x1x128xi32, #tpu.memory_space<vmem>>
    %dma_start3A_54 = tpu.memref_squeeze %dma_start3A_53 : memref<1x1x128xi32, #tpu.memory_space<vmem>> -> memref<128xi32, #tpu.memory_space<vmem>>
    %dma_start3A_55 = arith.constant 0 : i32
    %dma_start3A_56 = arith.constant 0 : i32
    %dma_start3A_57 = tpu.memref_slice %arg7[%dma_start3A_55, %dma_start3A_56] : memref<1000001x32xf32, #tpu.memory_space<hbm>> -> memref<1000001x32xf32, #tpu.memory_space<hbm>>
    tpu.enqueue_indirect_dma source(%dma_start3A_57 : memref<1000001x32xf32, #tpu.memory_space<hbm>>) target(%dma_start3A_51 : memref<128x32xf32, #tpu.memory_space<vmem>>) offsets(%dma_start3A_54 : memref<128xi32, #tpu.memory_space<vmem>>) semaphore(%arg16 : memref<!tpu.dma_semaphore, #tpu.memory_space<semaphore_mem>>)
    %dma_start3A_58 = arith.constant 0 : i32
    %dma_start3A_59 = arith.constant 3 : i32
    %dma_start3A_60 = arith.constant 0 : i32
    %dma_start3A_61 = arith.constant 0 : i32
    %dma_start3A_62 = arith.constant 0 : i32
    %dma_start3A_63 = tpu.memref_slice %arg12[%dma_start3A_60, %dma_start3A_61, %dma_start3A_62] : memref<2x512x32xf32, #tpu.memory_space<vmem>> -> memref<1x512x32xf32, #tpu.memory_space<vmem>>
    %dma_start3A_64 = tpu.memref_squeeze %dma_start3A_63 : memref<1x512x32xf32, #tpu.memory_space<vmem>> -> memref<512x32xf32, #tpu.memory_space<vmem>>
    %dma_start3A_65 = arith.constant 384 : i32
    %dma_start3A_66 = arith.constant 0 : i32
    %dma_start3A_67 = tpu.memref_slice %dma_start3A_64[%dma_start3A_65, %dma_start3A_66] : memref<512x32xf32, #tpu.memory_space<vmem>> -> memref<128x32xf32, #tpu.memory_space<vmem>>
    %dma_start3A_68 = arith.constant 0 : i32
    %dma_start3A_69 = tpu.memref_slice %arg11[%dma_start3A_58, %dma_start3A_59, %dma_start3A_68] : memref<3x4x128xi32, #tpu.memory_space<vmem>> -> memref<1x1x128xi32, #tpu.memory_space<vmem>>
    %dma_start3A_70 = tpu.memref_squeeze %dma_start3A_69 : memref<1x1x128xi32, #tpu.memory_space<vmem>> -> memref<128xi32, #tpu.memory_space<vmem>>
    %dma_start3A_71 = arith.constant 0 : i32
    %dma_start3A_72 = arith.constant 0 : i32
    %dma_start3A_73 = tpu.memref_slice %arg7[%dma_start3A_71, %dma_start3A_72] : memref<1000001x32xf32, #tpu.memory_space<hbm>> -> memref<1000001x32xf32, #tpu.memory_space<hbm>>
    tpu.enqueue_indirect_dma source(%dma_start3A_73 : memref<1000001x32xf32, #tpu.memory_space<hbm>>) target(%dma_start3A_67 : memref<128x32xf32, #tpu.memory_space<vmem>>) offsets(%dma_start3A_70 : memref<128xi32, #tpu.memory_space<vmem>>) semaphore(%arg16 : memref<!tpu.dma_semaphore, #tpu.memory_space<semaphore_mem>>)
    %dma_start3A_74 = arith.constant 1 : i32
    %dma_start3A_75 = arith.constant 0 : i32
    %dma_start3A_76 = arith.constant 1 : i32
    %dma_start3A_77 = arith.constant 0 : i32
    %dma_start3A_78 = arith.constant 0 : i32
    %dma_start3A_79 = tpu.memref_slice %arg12[%dma_start3A_76, %dma_start3A_77, %dma_start3A_78] : memref<2x512x32xf32, #tpu.memory_space<vmem>> -> memref<1x512x32xf32, #tpu.memory_space<vmem>>
    %dma_start3A_80 = tpu.memref_squeeze %dma_start3A_79 : memref<1x512x32xf32, #tpu.memory_space<vmem>> -> memref<512x32xf32, #tpu.memory_space<vmem>>
    %dma_start3A_81 = arith.constant 0 : i32
    %dma_start3A_82 = arith.constant 0 : i32
    %dma_start3A_83 = tpu.memref_slice %dma_start3A_80[%dma_start3A_81, %dma_start3A_82] : memref<512x32xf32, #tpu.memory_space<vmem>> -> memref<128x32xf32, #tpu.memory_space<vmem>>
    %dma_start3A_84 = arith.constant 0 : i32
    %dma_start3A_85 = tpu.memref_slice %arg11[%dma_start3A_74, %dma_start3A_75, %dma_start3A_84] : memref<3x4x128xi32, #tpu.memory_space<vmem>> -> memref<1x1x128xi32, #tpu.memory_space<vmem>>
    %dma_start3A_86 = tpu.memref_squeeze %dma_start3A_85 : memref<1x1x128xi32, #tpu.memory_space<vmem>> -> memref<128xi32, #tpu.memory_space<vmem>>
    %dma_start3A_87 = arith.constant 0 : i32
    %dma_start3A_88 = arith.constant 0 : i32
    %dma_start3A_89 = tpu.memref_slice %arg8[%dma_start3A_87, %dma_start3A_88] : memref<100001x32xf32, #tpu.memory_space<hbm>> -> memref<100001x32xf32, #tpu.memory_space<hbm>>
    tpu.enqueue_indirect_dma source(%dma_start3A_89 : memref<100001x32xf32, #tpu.memory_space<hbm>>) target(%dma_start3A_83 : memref<128x32xf32, #tpu.memory_space<vmem>>) offsets(%dma_start3A_86 : memref<128xi32, #tpu.memory_space<vmem>>) semaphore(%arg16 : memref<!tpu.dma_semaphore, #tpu.memory_space<semaphore_mem>>)
    %dma_start3A_90 = arith.constant 1 : i32
    %dma_start3A_91 = arith.constant 1 : i32
    %dma_start3A_92 = arith.constant 1 : i32
    %dma_start3A_93 = arith.constant 0 : i32
    %dma_start3A_94 = arith.constant 0 : i32
    %dma_start3A_95 = tpu.memref_slice %arg12[%dma_start3A_92, %dma_start3A_93, %dma_start3A_94] : memref<2x512x32xf32, #tpu.memory_space<vmem>> -> memref<1x512x32xf32, #tpu.memory_space<vmem>>
    %dma_start3A_96 = tpu.memref_squeeze %dma_start3A_95 : memref<1x512x32xf32, #tpu.memory_space<vmem>> -> memref<512x32xf32, #tpu.memory_space<vmem>>
    %dma_start3A_97 = arith.constant 128 : i32
    %dma_start3A_98 = arith.constant 0 : i32
    %dma_start3A_99 = tpu.memref_slice %dma_start3A_96[%dma_start3A_97, %dma_start3A_98] : memref<512x32xf32, #tpu.memory_space<vmem>> -> memref<128x32xf32, #tpu.memory_space<vmem>>
    %dma_start3A_100 = arith.constant 0 : i32
    %dma_start3A_101 = tpu.memref_slice %arg11[%dma_start3A_90, %dma_start3A_91, %dma_start3A_100] : memref<3x4x128xi32, #tpu.memory_space<vmem>> -> memref<1x1x128xi32, #tpu.memory_space<vmem>>
    %dma_start3A_102 = tpu.memref_squeeze %dma_start3A_101 : memref<1x1x128xi32, #tpu.memory_space<vmem>> -> memref<128xi32, #tpu.memory_space<vmem>>
    %dma_start3A_103 = arith.constant 0 : i32
    %dma_start3A_104 = arith.constant 0 : i32
    %dma_start3A_105 = tpu.memref_slice %arg8[%dma_start3A_103, %dma_start3A_104] : memref<100001x32xf32, #tpu.memory_space<hbm>> -> memref<100001x32xf32, #tpu.memory_space<hbm>>
    tpu.enqueue_indirect_dma source(%dma_start3A_105 : memref<100001x32xf32, #tpu.memory_space<hbm>>) target(%dma_start3A_99 : memref<128x32xf32, #tpu.memory_space<vmem>>) offsets(%dma_start3A_102 : memref<128xi32, #tpu.memory_space<vmem>>) semaphore(%arg16 : memref<!tpu.dma_semaphore, #tpu.memory_space<semaphore_mem>>)
    %dma_start3A_106 = arith.constant 1 : i32
    %dma_start3A_107 = arith.constant 2 : i32
    %dma_start3A_108 = arith.constant 1 : i32
    %dma_start3A_109 = arith.constant 0 : i32
    %dma_start3A_110 = arith.constant 0 : i32
    %dma_start3A_111 = tpu.memref_slice %arg12[%dma_start3A_108, %dma_start3A_109, %dma_start3A_110] : memref<2x512x32xf32, #tpu.memory_space<vmem>> -> memref<1x512x32xf32, #tpu.memory_space<vmem>>
    %dma_start3A_112 = tpu.memref_squeeze %dma_start3A_111 : memref<1x512x32xf32, #tpu.memory_space<vmem>> -> memref<512x32xf32, #tpu.memory_space<vmem>>
    %dma_start3A_113 = arith.constant 256 : i32
    %dma_start3A_114 = arith.constant 0 : i32
    %dma_start3A_115 = tpu.memref_slice %dma_start3A_112[%dma_start3A_113, %dma_start3A_114] : memref<512x32xf32, #tpu.memory_space<vmem>> -> memref<128x32xf32, #tpu.memory_space<vmem>>
    %dma_start3A_116 = arith.constant 0 : i32
    %dma_start3A_117 = tpu.memref_slice %arg11[%dma_start3A_106, %dma_start3A_107, %dma_start3A_116] : memref<3x4x128xi32, #tpu.memory_space<vmem>> -> memref<1x1x128xi32, #tpu.memory_space<vmem>>
    %dma_start3A_118 = tpu.memref_squeeze %dma_start3A_117 : memref<1x1x128xi32, #tpu.memory_space<vmem>> -> memref<128xi32, #tpu.memory_space<vmem>>
    %dma_start3A_119 = arith.constant 0 : i32
    %dma_start3A_120 = arith.constant 0 : i32
    %dma_start3A_121 = tpu.memref_slice %arg8[%dma_start3A_119, %dma_start3A_120] : memref<100001x32xf32, #tpu.memory_space<hbm>> -> memref<100001x32xf32, #tpu.memory_space<hbm>>
    tpu.enqueue_indirect_dma source(%dma_start3A_121 : memref<100001x32xf32, #tpu.memory_space<hbm>>) target(%dma_start3A_115 : memref<128x32xf32, #tpu.memory_space<vmem>>) offsets(%dma_start3A_118 : memref<128xi32, #tpu.memory_space<vmem>>) semaphore(%arg16 : memref<!tpu.dma_semaphore, #tpu.memory_space<semaphore_mem>>)
    %dma_start3A_122 = arith.constant 1 : i32
    %dma_start3A_123 = arith.constant 3 : i32
    %dma_start3A_124 = arith.constant 1 : i32
    %dma_start3A_125 = arith.constant 0 : i32
    %dma_start3A_126 = arith.constant 0 : i32
    %dma_start3A_127 = tpu.memref_slice %arg12[%dma_start3A_124, %dma_start3A_125, %dma_start3A_126] : memref<2x512x32xf32, #tpu.memory_space<vmem>> -> memref<1x512x32xf32, #tpu.memory_space<vmem>>
    %dma_start3A_128 = tpu.memref_squeeze %dma_start3A_127 : memref<1x512x32xf32, #tpu.memory_space<vmem>> -> memref<512x32xf32, #tpu.memory_space<vmem>>
    %dma_start3A_129 = arith.constant 384 : i32
    %dma_start3A_130 = arith.constant 0 : i32
    %dma_start3A_131 = tpu.memref_slice %dma_start3A_128[%dma_start3A_129, %dma_start3A_130] : memref<512x32xf32, #tpu.memory_space<vmem>> -> memref<128x32xf32, #tpu.memory_space<vmem>>
    %dma_start3A_132 = arith.constant 0 : i32
    %dma_start3A_133 = tpu.memref_slice %arg11[%dma_start3A_122, %dma_start3A_123, %dma_start3A_132] : memref<3x4x128xi32, #tpu.memory_space<vmem>> -> memref<1x1x128xi32, #tpu.memory_space<vmem>>
    %dma_start3A_134 = tpu.memref_squeeze %dma_start3A_133 : memref<1x1x128xi32, #tpu.memory_space<vmem>> -> memref<128xi32, #tpu.memory_space<vmem>>
    %dma_start3A_135 = arith.constant 0 : i32
    %dma_start3A_136 = arith.constant 0 : i32
    %dma_start3A_137 = tpu.memref_slice %arg8[%dma_start3A_135, %dma_start3A_136] : memref<100001x32xf32, #tpu.memory_space<hbm>> -> memref<100001x32xf32, #tpu.memory_space<hbm>>
    tpu.enqueue_indirect_dma source(%dma_start3A_137 : memref<100001x32xf32, #tpu.memory_space<hbm>>) target(%dma_start3A_131 : memref<128x32xf32, #tpu.memory_space<vmem>>) offsets(%dma_start3A_134 : memref<128xi32, #tpu.memory_space<vmem>>) semaphore(%arg16 : memref<!tpu.dma_semaphore, #tpu.memory_space<semaphore_mem>>)
    %dma_start3A_138 = arith.constant 2 : i32
    %dma_start3A_139 = arith.constant 0 : i32
    %dma_start3A_140 = arith.constant 0 : i32
    %dma_start3A_141 = arith.constant 0 : i32
    %dma_start3A_142 = tpu.memref_slice %arg13[%dma_start3A_140, %dma_start3A_141] : memref<512x64xf32, #tpu.memory_space<vmem>> -> memref<128x64xf32, #tpu.memory_space<vmem>>
    %dma_start3A_143 = arith.constant 0 : i32
    %dma_start3A_144 = tpu.memref_slice %arg11[%dma_start3A_138, %dma_start3A_139, %dma_start3A_143] : memref<3x4x128xi32, #tpu.memory_space<vmem>> -> memref<1x1x128xi32, #tpu.memory_space<vmem>>
    %dma_start3A_145 = tpu.memref_squeeze %dma_start3A_144 : memref<1x1x128xi32, #tpu.memory_space<vmem>> -> memref<128xi32, #tpu.memory_space<vmem>>
    %dma_start3A_146 = arith.constant 0 : i32
    %dma_start3A_147 = arith.constant 0 : i32
    %dma_start3A_148 = tpu.memref_slice %arg9[%dma_start3A_146, %dma_start3A_147] : memref<24x64xf32, #tpu.memory_space<hbm>> -> memref<24x64xf32, #tpu.memory_space<hbm>>
    tpu.enqueue_indirect_dma source(%dma_start3A_148 : memref<24x64xf32, #tpu.memory_space<hbm>>) target(%dma_start3A_142 : memref<128x64xf32, #tpu.memory_space<vmem>>) offsets(%dma_start3A_145 : memref<128xi32, #tpu.memory_space<vmem>>) semaphore(%arg16 : memref<!tpu.dma_semaphore, #tpu.memory_space<semaphore_mem>>)
    %dma_start3A_149 = arith.constant 2 : i32
    %dma_start3A_150 = arith.constant 1 : i32
    %dma_start3A_151 = arith.constant 128 : i32
    %dma_start3A_152 = arith.constant 0 : i32
    %dma_start3A_153 = tpu.memref_slice %arg13[%dma_start3A_151, %dma_start3A_152] : memref<512x64xf32, #tpu.memory_space<vmem>> -> memref<128x64xf32, #tpu.memory_space<vmem>>
    %dma_start3A_154 = arith.constant 0 : i32
    %dma_start3A_155 = tpu.memref_slice %arg11[%dma_start3A_149, %dma_start3A_150, %dma_start3A_154] : memref<3x4x128xi32, #tpu.memory_space<vmem>> -> memref<1x1x128xi32, #tpu.memory_space<vmem>>
    %dma_start3A_156 = tpu.memref_squeeze %dma_start3A_155 : memref<1x1x128xi32, #tpu.memory_space<vmem>> -> memref<128xi32, #tpu.memory_space<vmem>>
    %dma_start3A_157 = arith.constant 0 : i32
    %dma_start3A_158 = arith.constant 0 : i32
    %dma_start3A_159 = tpu.memref_slice %arg9[%dma_start3A_157, %dma_start3A_158] : memref<24x64xf32, #tpu.memory_space<hbm>> -> memref<24x64xf32, #tpu.memory_space<hbm>>
    tpu.enqueue_indirect_dma source(%dma_start3A_159 : memref<24x64xf32, #tpu.memory_space<hbm>>) target(%dma_start3A_153 : memref<128x64xf32, #tpu.memory_space<vmem>>) offsets(%dma_start3A_156 : memref<128xi32, #tpu.memory_space<vmem>>) semaphore(%arg16 : memref<!tpu.dma_semaphore, #tpu.memory_space<semaphore_mem>>)
    %dma_start3A_160 = arith.constant 2 : i32
    %dma_start3A_161 = arith.constant 2 : i32
    %dma_start3A_162 = arith.constant 256 : i32
    %dma_start3A_163 = arith.constant 0 : i32
    %dma_start3A_164 = tpu.memref_slice %arg13[%dma_start3A_162, %dma_start3A_163] : memref<512x64xf32, #tpu.memory_space<vmem>> -> memref<128x64xf32, #tpu.memory_space<vmem>>
    %dma_start3A_165 = arith.constant 0 : i32
    %dma_start3A_166 = tpu.memref_slice %arg11[%dma_start3A_160, %dma_start3A_161, %dma_start3A_165] : memref<3x4x128xi32, #tpu.memory_space<vmem>> -> memref<1x1x128xi32, #tpu.memory_space<vmem>>
    %dma_start3A_167 = tpu.memref_squeeze %dma_start3A_166 : memref<1x1x128xi32, #tpu.memory_space<vmem>> -> memref<128xi32, #tpu.memory_space<vmem>>
    %dma_start3A_168 = arith.constant 0 : i32
    %dma_start3A_169 = arith.constant 0 : i32
    %dma_start3A_170 = tpu.memref_slice %arg9[%dma_start3A_168, %dma_start3A_169] : memref<24x64xf32, #tpu.memory_space<hbm>> -> memref<24x64xf32, #tpu.memory_space<hbm>>
    tpu.enqueue_indirect_dma source(%dma_start3A_170 : memref<24x64xf32, #tpu.memory_space<hbm>>) target(%dma_start3A_164 : memref<128x64xf32, #tpu.memory_space<vmem>>) offsets(%dma_start3A_167 : memref<128xi32, #tpu.memory_space<vmem>>) semaphore(%arg16 : memref<!tpu.dma_semaphore, #tpu.memory_space<semaphore_mem>>)
    %dma_start3A_171 = arith.constant 2 : i32
    %dma_start3A_172 = arith.constant 3 : i32
    %dma_start3A_173 = arith.constant 384 : i32
    %dma_start3A_174 = arith.constant 0 : i32
    %dma_start3A_175 = tpu.memref_slice %arg13[%dma_start3A_173, %dma_start3A_174] : memref<512x64xf32, #tpu.memory_space<vmem>> -> memref<128x64xf32, #tpu.memory_space<vmem>>
    %dma_start3A_176 = arith.constant 0 : i32
    %dma_start3A_177 = tpu.memref_slice %arg11[%dma_start3A_171, %dma_start3A_172, %dma_start3A_176] : memref<3x4x128xi32, #tpu.memory_space<vmem>> -> memref<1x1x128xi32, #tpu.memory_space<vmem>>
    %dma_start3A_178 = tpu.memref_squeeze %dma_start3A_177 : memref<1x1x128xi32, #tpu.memory_space<vmem>> -> memref<128xi32, #tpu.memory_space<vmem>>
    %dma_start3A_179 = arith.constant 0 : i32
    %dma_start3A_180 = arith.constant 0 : i32
    %dma_start3A_181 = tpu.memref_slice %arg9[%dma_start3A_179, %dma_start3A_180] : memref<24x64xf32, #tpu.memory_space<hbm>> -> memref<24x64xf32, #tpu.memory_space<hbm>>
    tpu.enqueue_indirect_dma source(%dma_start3A_181 : memref<24x64xf32, #tpu.memory_space<hbm>>) target(%dma_start3A_175 : memref<128x64xf32, #tpu.memory_space<vmem>>) offsets(%dma_start3A_178 : memref<128xi32, #tpu.memory_space<vmem>>) semaphore(%arg16 : memref<!tpu.dma_semaphore, #tpu.memory_space<semaphore_mem>>)
    %run_scoped3A_182 = arith.constant 0 : i32
    "tpu.region"() ({
      %run_scoped3A_877 = tpu.sem_alloc : memref<!tpu.dma_semaphore, #tpu.memory_space<semaphore_mem>>
      %dma_start3A_878 = arith.constant 0 : i32
      %dma_start3A_879 = tpu.memref_slice %arg15[%run_scoped3A_182, %dma_start3A_878] : memref<2x16xf32, #tpu.memory_space<vmem>> -> memref<1x16xf32, #tpu.memory_space<vmem>>
      %dma_start3A_880 = tpu.memref_squeeze %dma_start3A_879 : memref<1x16xf32, #tpu.memory_space<vmem>> -> memref<16xf32, #tpu.memory_space<vmem>>
      %dma_start3A_881 = arith.constant 0 : i32
      %dma_start3A_882 = tpu.memref_slice %arg15[%run_scoped3A_182, %dma_start3A_881] : memref<2x16xf32, #tpu.memory_space<vmem>> -> memref<1x16xf32, #tpu.memory_space<vmem>>
      %dma_start3A_883 = tpu.memref_squeeze %dma_start3A_882 : memref<1x16xf32, #tpu.memory_space<vmem>> -> memref<16xf32, #tpu.memory_space<vmem>>
      tpu.enqueue_dma source(%arg5 : memref<16xf32, #tpu.memory_space<hbm>>) target(%dma_start3A_883 : memref<16xf32, #tpu.memory_space<vmem>>) target_semaphore(%run_scoped3A_877 : memref<!tpu.dma_semaphore, #tpu.memory_space<semaphore_mem>>)
      %dma_wait3A_884 = arith.constant 0 : i32
      %dma_wait3A_885 = tpu.memref_slice %arg15[%run_scoped3A_182, %dma_wait3A_884] : memref<2x16xf32, #tpu.memory_space<vmem>> -> memref<1x16xf32, #tpu.memory_space<vmem>>
      %dma_wait3A_886 = tpu.memref_squeeze %dma_wait3A_885 : memref<1x16xf32, #tpu.memory_space<vmem>> -> memref<16xf32, #tpu.memory_space<vmem>>
      %dma_wait3A_887 = arith.constant 0 : i32
      %dma_wait3A_888 = tpu.memref_slice %arg15[%run_scoped3A_182, %dma_wait3A_887] : memref<2x16xf32, #tpu.memory_space<vmem>> -> memref<1x16xf32, #tpu.memory_space<vmem>>
      %dma_wait3A_889 = tpu.memref_squeeze %dma_wait3A_888 : memref<1x16xf32, #tpu.memory_space<vmem>> -> memref<16xf32, #tpu.memory_space<vmem>>
      tpu.wait_dma2 semaphore(%run_scoped3A_877 : memref<!tpu.dma_semaphore, #tpu.memory_space<semaphore_mem>>) src(%arg5 : memref<16xf32, #tpu.memory_space<hbm>>) dst(%dma_wait3A_889 : memref<16xf32, #tpu.memory_space<vmem>>)
      tpu.yield
    }) : () -> ()
    %run_scoped3A_183 = arith.constant 1 : i32
    "tpu.region"() ({
      %run_scoped3A_877 = tpu.sem_alloc : memref<!tpu.dma_semaphore, #tpu.memory_space<semaphore_mem>>
      %dma_start3A_878 = arith.constant 0 : i32
      %dma_start3A_879 = tpu.memref_slice %arg15[%run_scoped3A_183, %dma_start3A_878] : memref<2x16xf32, #tpu.memory_space<vmem>> -> memref<1x16xf32, #tpu.memory_space<vmem>>
      %dma_start3A_880 = tpu.memref_squeeze %dma_start3A_879 : memref<1x16xf32, #tpu.memory_space<vmem>> -> memref<16xf32, #tpu.memory_space<vmem>>
      %dma_start3A_881 = arith.constant 0 : i32
      %dma_start3A_882 = tpu.memref_slice %arg15[%run_scoped3A_183, %dma_start3A_881] : memref<2x16xf32, #tpu.memory_space<vmem>> -> memref<1x16xf32, #tpu.memory_space<vmem>>
      %dma_start3A_883 = tpu.memref_squeeze %dma_start3A_882 : memref<1x16xf32, #tpu.memory_space<vmem>> -> memref<16xf32, #tpu.memory_space<vmem>>
      tpu.enqueue_dma source(%arg6 : memref<16xf32, #tpu.memory_space<hbm>>) target(%dma_start3A_883 : memref<16xf32, #tpu.memory_space<vmem>>) target_semaphore(%run_scoped3A_877 : memref<!tpu.dma_semaphore, #tpu.memory_space<semaphore_mem>>)
      %dma_wait3A_884 = arith.constant 0 : i32
      %dma_wait3A_885 = tpu.memref_slice %arg15[%run_scoped3A_183, %dma_wait3A_884] : memref<2x16xf32, #tpu.memory_space<vmem>> -> memref<1x16xf32, #tpu.memory_space<vmem>>
      %dma_wait3A_886 = tpu.memref_squeeze %dma_wait3A_885 : memref<1x16xf32, #tpu.memory_space<vmem>> -> memref<16xf32, #tpu.memory_space<vmem>>
      %dma_wait3A_887 = arith.constant 0 : i32
      %dma_wait3A_888 = tpu.memref_slice %arg15[%run_scoped3A_183, %dma_wait3A_887] : memref<2x16xf32, #tpu.memory_space<vmem>> -> memref<1x16xf32, #tpu.memory_space<vmem>>
      %dma_wait3A_889 = tpu.memref_squeeze %dma_wait3A_888 : memref<1x16xf32, #tpu.memory_space<vmem>> -> memref<16xf32, #tpu.memory_space<vmem>>
      tpu.wait_dma2 semaphore(%run_scoped3A_877 : memref<!tpu.dma_semaphore, #tpu.memory_space<semaphore_mem>>) src(%arg6 : memref<16xf32, #tpu.memory_space<hbm>>) dst(%dma_wait3A_889 : memref<16xf32, #tpu.memory_space<vmem>>)
      tpu.yield
    }) : () -> ()
    %get3A = arith.constant 0 : i32
    %get3A_184 = arith.index_cast %get3A : i32 to index
    %get3A_185 = arith.constant 0 : index
    %get3A_186 = tpu.vector_load %arg15[%get3A_184, %get3A_185] {strides = array<i32>} : memref<2x16xf32, #tpu.memory_space<vmem>>, vector<16xf32>,
    %get3A_187 = arith.constant 1 : i32
    %get3A_188 = arith.index_cast %get3A_187 : i32 to index
    %get3A_189 = arith.constant 0 : index
    %get3A_190 = tpu.vector_load %arg15[%get3A_188, %get3A_189] {strides = array<i32>} : memref<2x16xf32, #tpu.memory_space<vmem>>, vector<16xf32>,
    %broadcast_in_dim3A = arith.constant 0 : i32
    %broadcast_in_dim3A_191 = vector.broadcast %broadcast_in_dim3A : i32 to vector<16xi32>
    %broadcast_in_dim3A_192 = arith.constant 7 : i32
    %broadcast_in_dim3A_193 = vector.broadcast %broadcast_in_dim3A_192 : i32 to vector<16xi32>
    %get3A_194 = arith.constant 2 : i32
    %get3A_195 = arith.constant 0 : i32
    %get3A_196 = arith.index_cast %get3A_194 : i32 to index
    %get3A_197 = arith.index_cast %get3A_195 : i32 to index
    %get3A_198 = arith.constant 0 : index
    %get3A_199 = tpu.vector_load %arg11[%get3A_196, %get3A_197, %get3A_198] {strides = array<i32>} : memref<3x4x128xi32, #tpu.memory_space<vmem>>, vector<16xi32>,
    %and3A = arith.andi %get3A_199, %broadcast_in_dim3A_193 : vector<16xi32>
    %convert_element_type3A = arith.sitofp %and3A : vector<16xi32> to vector<16xf32>
    %sub3A = arith.subf %convert_element_type3A, %get3A_186 : vector<16xf32>
    %mul3A_200 = arith.mulf %sub3A, %get3A_190 : vector<16xf32>
    %iota3A = tpu.iota {dimensions = array<i32: 0>} : vector<16xi32>
    %add3A_201 = arith.constant 0 : i32
    %add3A_202 = vector.broadcast %add3A_201 : i32 to vector<16xi32>
    %add3A_203 = arith.addi %iota3A, %add3A_202 : vector<16xi32>
    tpu.vector_store_idx %arg14[%add3A_203, %broadcast_in_dim3A_191], %mul3A_200 : memref<512x1xf32, #tpu.memory_space<vmem>>[vector<16xi32>, vector<16xi32>], vector<16xf32>,
    %get3A_204 = arith.constant 2 : i32
    %get3A_205 = arith.constant 0 : i32
    %get3A_206 = arith.index_cast %get3A_204 : i32 to index
    %get3A_207 = arith.index_cast %get3A_205 : i32 to index
    %get3A_208 = arith.constant 16 : index
    %get3A_209 = tpu.vector_load %arg11[%get3A_206, %get3A_207, %get3A_208] {strides = array<i32>} : memref<3x4x128xi32, #tpu.memory_space<vmem>>, vector<16xi32>,
    %and3A_210 = arith.andi %get3A_209, %broadcast_in_dim3A_193 : vector<16xi32>
    %convert_element_type3A_211 = arith.sitofp %and3A_210 : vector<16xi32> to vector<16xf32>
    %sub3A_212 = arith.subf %convert_element_type3A_211, %get3A_186 : vector<16xf32>
    %mul3A_213 = arith.mulf %sub3A_212, %get3A_190 : vector<16xf32>
    %iota3A_214 = tpu.iota {dimensions = array<i32: 0>} : vector<16xi32>
    %add3A_215 = arith.constant 16 : i32
    %add3A_216 = vector.broadcast %add3A_215 : i32 to vector<16xi32>
    %add3A_217 = arith.addi %iota3A_214, %add3A_216 : vector<16xi32>
    tpu.vector_store_idx %arg14[%add3A_217, %broadcast_in_dim3A_191], %mul3A_213 : memref<512x1xf32, #tpu.memory_space<vmem>>[vector<16xi32>, vector<16xi32>], vector<16xf32>,
    %get3A_218 = arith.constant 2 : i32
    %get3A_219 = arith.constant 0 : i32
    %get3A_220 = arith.index_cast %get3A_218 : i32 to index
    %get3A_221 = arith.index_cast %get3A_219 : i32 to index
    %get3A_222 = arith.constant 32 : index
    %get3A_223 = tpu.vector_load %arg11[%get3A_220, %get3A_221, %get3A_222] {strides = array<i32>} : memref<3x4x128xi32, #tpu.memory_space<vmem>>, vector<16xi32>,
    %and3A_224 = arith.andi %get3A_223, %broadcast_in_dim3A_193 : vector<16xi32>
    %convert_element_type3A_225 = arith.sitofp %and3A_224 : vector<16xi32> to vector<16xf32>
    %sub3A_226 = arith.subf %convert_element_type3A_225, %get3A_186 : vector<16xf32>
    %mul3A_227 = arith.mulf %sub3A_226, %get3A_190 : vector<16xf32>
    %iota3A_228 = tpu.iota {dimensions = array<i32: 0>} : vector<16xi32>
    %add3A_229 = arith.constant 32 : i32
    %add3A_230 = vector.broadcast %add3A_229 : i32 to vector<16xi32>
    %add3A_231 = arith.addi %iota3A_228, %add3A_230 : vector<16xi32>
    tpu.vector_store_idx %arg14[%add3A_231, %broadcast_in_dim3A_191], %mul3A_227 : memref<512x1xf32, #tpu.memory_space<vmem>>[vector<16xi32>, vector<16xi32>], vector<16xf32>,
    %get3A_232 = arith.constant 2 : i32
    %get3A_233 = arith.constant 0 : i32
    %get3A_234 = arith.index_cast %get3A_232 : i32 to index
    %get3A_235 = arith.index_cast %get3A_233 : i32 to index
    %get3A_236 = arith.constant 48 : index
    %get3A_237 = tpu.vector_load %arg11[%get3A_234, %get3A_235, %get3A_236] {strides = array<i32>} : memref<3x4x128xi32, #tpu.memory_space<vmem>>, vector<16xi32>,
    %and3A_238 = arith.andi %get3A_237, %broadcast_in_dim3A_193 : vector<16xi32>
    %convert_element_type3A_239 = arith.sitofp %and3A_238 : vector<16xi32> to vector<16xf32>
    %sub3A_240 = arith.subf %convert_element_type3A_239, %get3A_186 : vector<16xf32>
    %mul3A_241 = arith.mulf %sub3A_240, %get3A_190 : vector<16xf32>
    %iota3A_242 = tpu.iota {dimensions = array<i32: 0>} : vector<16xi32>
    %add3A_243 = arith.constant 48 : i32
    %add3A_244 = vector.broadcast %add3A_243 : i32 to vector<16xi32>
    %add3A_245 = arith.addi %iota3A_242, %add3A_244 : vector<16xi32>
    tpu.vector_store_idx %arg14[%add3A_245, %broadcast_in_dim3A_191], %mul3A_241 : memref<512x1xf32, #tpu.memory_space<vmem>>[vector<16xi32>, vector<16xi32>], vector<16xf32>,
    %get3A_246 = arith.constant 2 : i32
    %get3A_247 = arith.constant 0 : i32
    %get3A_248 = arith.index_cast %get3A_246 : i32 to index
    %get3A_249 = arith.index_cast %get3A_247 : i32 to index
    %get3A_250 = arith.constant 64 : index
    %get3A_251 = tpu.vector_load %arg11[%get3A_248, %get3A_249, %get3A_250] {strides = array<i32>} : memref<3x4x128xi32, #tpu.memory_space<vmem>>, vector<16xi32>,
    %and3A_252 = arith.andi %get3A_251, %broadcast_in_dim3A_193 : vector<16xi32>
    %convert_element_type3A_253 = arith.sitofp %and3A_252 : vector<16xi32> to vector<16xf32>
    %sub3A_254 = arith.subf %convert_element_type3A_253, %get3A_186 : vector<16xf32>
    %mul3A_255 = arith.mulf %sub3A_254, %get3A_190 : vector<16xf32>
    %iota3A_256 = tpu.iota {dimensions = array<i32: 0>} : vector<16xi32>
    %add3A_257 = arith.constant 64 : i32
    %add3A_258 = vector.broadcast %add3A_257 : i32 to vector<16xi32>
    %add3A_259 = arith.addi %iota3A_256, %add3A_258 : vector<16xi32>
    tpu.vector_store_idx %arg14[%add3A_259, %broadcast_in_dim3A_191], %mul3A_255 : memref<512x1xf32, #tpu.memory_space<vmem>>[vector<16xi32>, vector<16xi32>], vector<16xf32>,
    %get3A_260 = arith.constant 2 : i32
    %get3A_261 = arith.constant 0 : i32
    %get3A_262 = arith.index_cast %get3A_260 : i32 to index
    %get3A_263 = arith.index_cast %get3A_261 : i32 to index
    %get3A_264 = arith.constant 80 : index
    %get3A_265 = tpu.vector_load %arg11[%get3A_262, %get3A_263, %get3A_264] {strides = array<i32>} : memref<3x4x128xi32, #tpu.memory_space<vmem>>, vector<16xi32>,
    %and3A_266 = arith.andi %get3A_265, %broadcast_in_dim3A_193 : vector<16xi32>
    %convert_element_type3A_267 = arith.sitofp %and3A_266 : vector<16xi32> to vector<16xf32>
    %sub3A_268 = arith.subf %convert_element_type3A_267, %get3A_186 : vector<16xf32>
    %mul3A_269 = arith.mulf %sub3A_268, %get3A_190 : vector<16xf32>
    %iota3A_270 = tpu.iota {dimensions = array<i32: 0>} : vector<16xi32>
    %add3A_271 = arith.constant 80 : i32
    %add3A_272 = vector.broadcast %add3A_271 : i32 to vector<16xi32>
    %add3A_273 = arith.addi %iota3A_270, %add3A_272 : vector<16xi32>
    tpu.vector_store_idx %arg14[%add3A_273, %broadcast_in_dim3A_191], %mul3A_269 : memref<512x1xf32, #tpu.memory_space<vmem>>[vector<16xi32>, vector<16xi32>], vector<16xf32>,
    %get3A_274 = arith.constant 2 : i32
    %get3A_275 = arith.constant 0 : i32
    %get3A_276 = arith.index_cast %get3A_274 : i32 to index
    %get3A_277 = arith.index_cast %get3A_275 : i32 to index
    %get3A_278 = arith.constant 96 : index
    %get3A_279 = tpu.vector_load %arg11[%get3A_276, %get3A_277, %get3A_278] {strides = array<i32>} : memref<3x4x128xi32, #tpu.memory_space<vmem>>, vector<16xi32>,
    %and3A_280 = arith.andi %get3A_279, %broadcast_in_dim3A_193 : vector<16xi32>
    %convert_element_type3A_281 = arith.sitofp %and3A_280 : vector<16xi32> to vector<16xf32>
    %sub3A_282 = arith.subf %convert_element_type3A_281, %get3A_186 : vector<16xf32>
    %mul3A_283 = arith.mulf %sub3A_282, %get3A_190 : vector<16xf32>
    %iota3A_284 = tpu.iota {dimensions = array<i32: 0>} : vector<16xi32>
    %add3A_285 = arith.constant 96 : i32
    %add3A_286 = vector.broadcast %add3A_285 : i32 to vector<16xi32>
    %add3A_287 = arith.addi %iota3A_284, %add3A_286 : vector<16xi32>
    tpu.vector_store_idx %arg14[%add3A_287, %broadcast_in_dim3A_191], %mul3A_283 : memref<512x1xf32, #tpu.memory_space<vmem>>[vector<16xi32>, vector<16xi32>], vector<16xf32>,
    %get3A_288 = arith.constant 2 : i32
    %get3A_289 = arith.constant 0 : i32
    %get3A_290 = arith.index_cast %get3A_288 : i32 to index
    %get3A_291 = arith.index_cast %get3A_289 : i32 to index
    %get3A_292 = arith.constant 112 : index
    %get3A_293 = tpu.vector_load %arg11[%get3A_290, %get3A_291, %get3A_292] {strides = array<i32>} : memref<3x4x128xi32, #tpu.memory_space<vmem>>, vector<16xi32>,
    %and3A_294 = arith.andi %get3A_293, %broadcast_in_dim3A_193 : vector<16xi32>
    %convert_element_type3A_295 = arith.sitofp %and3A_294 : vector<16xi32> to vector<16xf32>
    %sub3A_296 = arith.subf %convert_element_type3A_295, %get3A_186 : vector<16xf32>
    %mul3A_297 = arith.mulf %sub3A_296, %get3A_190 : vector<16xf32>
    %iota3A_298 = tpu.iota {dimensions = array<i32: 0>} : vector<16xi32>
    %add3A_299 = arith.constant 112 : i32
    %add3A_300 = vector.broadcast %add3A_299 : i32 to vector<16xi32>
    %add3A_301 = arith.addi %iota3A_298, %add3A_300 : vector<16xi32>
    tpu.vector_store_idx %arg14[%add3A_301, %broadcast_in_dim3A_191], %mul3A_297 : memref<512x1xf32, #tpu.memory_space<vmem>>[vector<16xi32>, vector<16xi32>], vector<16xf32>,
    %get3A_302 = arith.constant 2 : i32
    %get3A_303 = arith.constant 1 : i32
    %get3A_304 = arith.index_cast %get3A_302 : i32 to index
    %get3A_305 = arith.index_cast %get3A_303 : i32 to index
    %get3A_306 = arith.constant 0 : index
    %get3A_307 = tpu.vector_load %arg11[%get3A_304, %get3A_305, %get3A_306] {strides = array<i32>} : memref<3x4x128xi32, #tpu.memory_space<vmem>>, vector<16xi32>,
    %and3A_308 = arith.andi %get3A_307, %broadcast_in_dim3A_193 : vector<16xi32>
    %convert_element_type3A_309 = arith.sitofp %and3A_308 : vector<16xi32> to vector<16xf32>
    %sub3A_310 = arith.subf %convert_element_type3A_309, %get3A_186 : vector<16xf32>
    %mul3A_311 = arith.mulf %sub3A_310, %get3A_190 : vector<16xf32>
    %iota3A_312 = tpu.iota {dimensions = array<i32: 0>} : vector<16xi32>
    %add3A_313 = arith.constant 128 : i32
    %add3A_314 = vector.broadcast %add3A_313 : i32 to vector<16xi32>
    %add3A_315 = arith.addi %iota3A_312, %add3A_314 : vector<16xi32>
    tpu.vector_store_idx %arg14[%add3A_315, %broadcast_in_dim3A_191], %mul3A_311 : memref<512x1xf32, #tpu.memory_space<vmem>>[vector<16xi32>, vector<16xi32>], vector<16xf32>,
    %get3A_316 = arith.constant 2 : i32
    %get3A_317 = arith.constant 1 : i32
    %get3A_318 = arith.index_cast %get3A_316 : i32 to index
    %get3A_319 = arith.index_cast %get3A_317 : i32 to index
    %get3A_320 = arith.constant 16 : index
    %get3A_321 = tpu.vector_load %arg11[%get3A_318, %get3A_319, %get3A_320] {strides = array<i32>} : memref<3x4x128xi32, #tpu.memory_space<vmem>>, vector<16xi32>,
    %and3A_322 = arith.andi %get3A_321, %broadcast_in_dim3A_193 : vector<16xi32>
    %convert_element_type3A_323 = arith.sitofp %and3A_322 : vector<16xi32> to vector<16xf32>
    %sub3A_324 = arith.subf %convert_element_type3A_323, %get3A_186 : vector<16xf32>
    %mul3A_325 = arith.mulf %sub3A_324, %get3A_190 : vector<16xf32>
    %iota3A_326 = tpu.iota {dimensions = array<i32: 0>} : vector<16xi32>
    %add3A_327 = arith.constant 144 : i32
    %add3A_328 = vector.broadcast %add3A_327 : i32 to vector<16xi32>
    %add3A_329 = arith.addi %iota3A_326, %add3A_328 : vector<16xi32>
    tpu.vector_store_idx %arg14[%add3A_329, %broadcast_in_dim3A_191], %mul3A_325 : memref<512x1xf32, #tpu.memory_space<vmem>>[vector<16xi32>, vector<16xi32>], vector<16xf32>,
    %get3A_330 = arith.constant 2 : i32
    %get3A_331 = arith.constant 1 : i32
    %get3A_332 = arith.index_cast %get3A_330 : i32 to index
    %get3A_333 = arith.index_cast %get3A_331 : i32 to index
    %get3A_334 = arith.constant 32 : index
    %get3A_335 = tpu.vector_load %arg11[%get3A_332, %get3A_333, %get3A_334] {strides = array<i32>} : memref<3x4x128xi32, #tpu.memory_space<vmem>>, vector<16xi32>,
    %and3A_336 = arith.andi %get3A_335, %broadcast_in_dim3A_193 : vector<16xi32>
    %convert_element_type3A_337 = arith.sitofp %and3A_336 : vector<16xi32> to vector<16xf32>
    %sub3A_338 = arith.subf %convert_element_type3A_337, %get3A_186 : vector<16xf32>
    %mul3A_339 = arith.mulf %sub3A_338, %get3A_190 : vector<16xf32>
    %iota3A_340 = tpu.iota {dimensions = array<i32: 0>} : vector<16xi32>
    %add3A_341 = arith.constant 160 : i32
    %add3A_342 = vector.broadcast %add3A_341 : i32 to vector<16xi32>
    %add3A_343 = arith.addi %iota3A_340, %add3A_342 : vector<16xi32>
    tpu.vector_store_idx %arg14[%add3A_343, %broadcast_in_dim3A_191], %mul3A_339 : memref<512x1xf32, #tpu.memory_space<vmem>>[vector<16xi32>, vector<16xi32>], vector<16xf32>,
    %get3A_344 = arith.constant 2 : i32
    %get3A_345 = arith.constant 1 : i32
    %get3A_346 = arith.index_cast %get3A_344 : i32 to index
    %get3A_347 = arith.index_cast %get3A_345 : i32 to index
    %get3A_348 = arith.constant 48 : index
    %get3A_349 = tpu.vector_load %arg11[%get3A_346, %get3A_347, %get3A_348] {strides = array<i32>} : memref<3x4x128xi32, #tpu.memory_space<vmem>>, vector<16xi32>,
    %and3A_350 = arith.andi %get3A_349, %broadcast_in_dim3A_193 : vector<16xi32>
    %convert_element_type3A_351 = arith.sitofp %and3A_350 : vector<16xi32> to vector<16xf32>
    %sub3A_352 = arith.subf %convert_element_type3A_351, %get3A_186 : vector<16xf32>
    %mul3A_353 = arith.mulf %sub3A_352, %get3A_190 : vector<16xf32>
    %iota3A_354 = tpu.iota {dimensions = array<i32: 0>} : vector<16xi32>
    %add3A_355 = arith.constant 176 : i32
    %add3A_356 = vector.broadcast %add3A_355 : i32 to vector<16xi32>
    %add3A_357 = arith.addi %iota3A_354, %add3A_356 : vector<16xi32>
    tpu.vector_store_idx %arg14[%add3A_357, %broadcast_in_dim3A_191], %mul3A_353 : memref<512x1xf32, #tpu.memory_space<vmem>>[vector<16xi32>, vector<16xi32>], vector<16xf32>,
    %get3A_358 = arith.constant 2 : i32
    %get3A_359 = arith.constant 1 : i32
    %get3A_360 = arith.index_cast %get3A_358 : i32 to index
    %get3A_361 = arith.index_cast %get3A_359 : i32 to index
    %get3A_362 = arith.constant 64 : index
    %get3A_363 = tpu.vector_load %arg11[%get3A_360, %get3A_361, %get3A_362] {strides = array<i32>} : memref<3x4x128xi32, #tpu.memory_space<vmem>>, vector<16xi32>,
    %and3A_364 = arith.andi %get3A_363, %broadcast_in_dim3A_193 : vector<16xi32>
    %convert_element_type3A_365 = arith.sitofp %and3A_364 : vector<16xi32> to vector<16xf32>
    %sub3A_366 = arith.subf %convert_element_type3A_365, %get3A_186 : vector<16xf32>
    %mul3A_367 = arith.mulf %sub3A_366, %get3A_190 : vector<16xf32>
    %iota3A_368 = tpu.iota {dimensions = array<i32: 0>} : vector<16xi32>
    %add3A_369 = arith.constant 192 : i32
    %add3A_370 = vector.broadcast %add3A_369 : i32 to vector<16xi32>
    %add3A_371 = arith.addi %iota3A_368, %add3A_370 : vector<16xi32>
    tpu.vector_store_idx %arg14[%add3A_371, %broadcast_in_dim3A_191], %mul3A_367 : memref<512x1xf32, #tpu.memory_space<vmem>>[vector<16xi32>, vector<16xi32>], vector<16xf32>,
    %get3A_372 = arith.constant 2 : i32
    %get3A_373 = arith.constant 1 : i32
    %get3A_374 = arith.index_cast %get3A_372 : i32 to index
    %get3A_375 = arith.index_cast %get3A_373 : i32 to index
    %get3A_376 = arith.constant 80 : index
    %get3A_377 = tpu.vector_load %arg11[%get3A_374, %get3A_375, %get3A_376] {strides = array<i32>} : memref<3x4x128xi32, #tpu.memory_space<vmem>>, vector<16xi32>,
    %and3A_378 = arith.andi %get3A_377, %broadcast_in_dim3A_193 : vector<16xi32>
    %convert_element_type3A_379 = arith.sitofp %and3A_378 : vector<16xi32> to vector<16xf32>
    %sub3A_380 = arith.subf %convert_element_type3A_379, %get3A_186 : vector<16xf32>
    %mul3A_381 = arith.mulf %sub3A_380, %get3A_190 : vector<16xf32>
    %iota3A_382 = tpu.iota {dimensions = array<i32: 0>} : vector<16xi32>
    %add3A_383 = arith.constant 208 : i32
    %add3A_384 = vector.broadcast %add3A_383 : i32 to vector<16xi32>
    %add3A_385 = arith.addi %iota3A_382, %add3A_384 : vector<16xi32>
    tpu.vector_store_idx %arg14[%add3A_385, %broadcast_in_dim3A_191], %mul3A_381 : memref<512x1xf32, #tpu.memory_space<vmem>>[vector<16xi32>, vector<16xi32>], vector<16xf32>,
    %get3A_386 = arith.constant 2 : i32
    %get3A_387 = arith.constant 1 : i32
    %get3A_388 = arith.index_cast %get3A_386 : i32 to index
    %get3A_389 = arith.index_cast %get3A_387 : i32 to index
    %get3A_390 = arith.constant 96 : index
    %get3A_391 = tpu.vector_load %arg11[%get3A_388, %get3A_389, %get3A_390] {strides = array<i32>} : memref<3x4x128xi32, #tpu.memory_space<vmem>>, vector<16xi32>,
    %and3A_392 = arith.andi %get3A_391, %broadcast_in_dim3A_193 : vector<16xi32>
    %convert_element_type3A_393 = arith.sitofp %and3A_392 : vector<16xi32> to vector<16xf32>
    %sub3A_394 = arith.subf %convert_element_type3A_393, %get3A_186 : vector<16xf32>
    %mul3A_395 = arith.mulf %sub3A_394, %get3A_190 : vector<16xf32>
    %iota3A_396 = tpu.iota {dimensions = array<i32: 0>} : vector<16xi32>
    %add3A_397 = arith.constant 224 : i32
    %add3A_398 = vector.broadcast %add3A_397 : i32 to vector<16xi32>
    %add3A_399 = arith.addi %iota3A_396, %add3A_398 : vector<16xi32>
    tpu.vector_store_idx %arg14[%add3A_399, %broadcast_in_dim3A_191], %mul3A_395 : memref<512x1xf32, #tpu.memory_space<vmem>>[vector<16xi32>, vector<16xi32>], vector<16xf32>,
    %get3A_400 = arith.constant 2 : i32
    %get3A_401 = arith.constant 1 : i32
    %get3A_402 = arith.index_cast %get3A_400 : i32 to index
    %get3A_403 = arith.index_cast %get3A_401 : i32 to index
    %get3A_404 = arith.constant 112 : index
    %get3A_405 = tpu.vector_load %arg11[%get3A_402, %get3A_403, %get3A_404] {strides = array<i32>} : memref<3x4x128xi32, #tpu.memory_space<vmem>>, vector<16xi32>,
    %and3A_406 = arith.andi %get3A_405, %broadcast_in_dim3A_193 : vector<16xi32>
    %convert_element_type3A_407 = arith.sitofp %and3A_406 : vector<16xi32> to vector<16xf32>
    %sub3A_408 = arith.subf %convert_element_type3A_407, %get3A_186 : vector<16xf32>
    %mul3A_409 = arith.mulf %sub3A_408, %get3A_190 : vector<16xf32>
    %iota3A_410 = tpu.iota {dimensions = array<i32: 0>} : vector<16xi32>
    %add3A_411 = arith.constant 240 : i32
    %add3A_412 = vector.broadcast %add3A_411 : i32 to vector<16xi32>
    %add3A_413 = arith.addi %iota3A_410, %add3A_412 : vector<16xi32>
    tpu.vector_store_idx %arg14[%add3A_413, %broadcast_in_dim3A_191], %mul3A_409 : memref<512x1xf32, #tpu.memory_space<vmem>>[vector<16xi32>, vector<16xi32>], vector<16xf32>,
    %get3A_414 = arith.constant 2 : i32
    %get3A_415 = arith.constant 2 : i32
    %get3A_416 = arith.index_cast %get3A_414 : i32 to index
    %get3A_417 = arith.index_cast %get3A_415 : i32 to index
    %get3A_418 = arith.constant 0 : index
    %get3A_419 = tpu.vector_load %arg11[%get3A_416, %get3A_417, %get3A_418] {strides = array<i32>} : memref<3x4x128xi32, #tpu.memory_space<vmem>>, vector<16xi32>,
    %and3A_420 = arith.andi %get3A_419, %broadcast_in_dim3A_193 : vector<16xi32>
    %convert_element_type3A_421 = arith.sitofp %and3A_420 : vector<16xi32> to vector<16xf32>
    %sub3A_422 = arith.subf %convert_element_type3A_421, %get3A_186 : vector<16xf32>
    %mul3A_423 = arith.mulf %sub3A_422, %get3A_190 : vector<16xf32>
    %iota3A_424 = tpu.iota {dimensions = array<i32: 0>} : vector<16xi32>
    %add3A_425 = arith.constant 256 : i32
    %add3A_426 = vector.broadcast %add3A_425 : i32 to vector<16xi32>
    %add3A_427 = arith.addi %iota3A_424, %add3A_426 : vector<16xi32>
    tpu.vector_store_idx %arg14[%add3A_427, %broadcast_in_dim3A_191], %mul3A_423 : memref<512x1xf32, #tpu.memory_space<vmem>>[vector<16xi32>, vector<16xi32>], vector<16xf32>,
    %get3A_428 = arith.constant 2 : i32
    %get3A_429 = arith.constant 2 : i32
    %get3A_430 = arith.index_cast %get3A_428 : i32 to index
    %get3A_431 = arith.index_cast %get3A_429 : i32 to index
    %get3A_432 = arith.constant 16 : index
    %get3A_433 = tpu.vector_load %arg11[%get3A_430, %get3A_431, %get3A_432] {strides = array<i32>} : memref<3x4x128xi32, #tpu.memory_space<vmem>>, vector<16xi32>,
    %and3A_434 = arith.andi %get3A_433, %broadcast_in_dim3A_193 : vector<16xi32>
    %convert_element_type3A_435 = arith.sitofp %and3A_434 : vector<16xi32> to vector<16xf32>
    %sub3A_436 = arith.subf %convert_element_type3A_435, %get3A_186 : vector<16xf32>
    %mul3A_437 = arith.mulf %sub3A_436, %get3A_190 : vector<16xf32>
    %iota3A_438 = tpu.iota {dimensions = array<i32: 0>} : vector<16xi32>
    %add3A_439 = arith.constant 272 : i32
    %add3A_440 = vector.broadcast %add3A_439 : i32 to vector<16xi32>
    %add3A_441 = arith.addi %iota3A_438, %add3A_440 : vector<16xi32>
    tpu.vector_store_idx %arg14[%add3A_441, %broadcast_in_dim3A_191], %mul3A_437 : memref<512x1xf32, #tpu.memory_space<vmem>>[vector<16xi32>, vector<16xi32>], vector<16xf32>,
    %get3A_442 = arith.constant 2 : i32
    %get3A_443 = arith.constant 2 : i32
    %get3A_444 = arith.index_cast %get3A_442 : i32 to index
    %get3A_445 = arith.index_cast %get3A_443 : i32 to index
    %get3A_446 = arith.constant 32 : index
    %get3A_447 = tpu.vector_load %arg11[%get3A_444, %get3A_445, %get3A_446] {strides = array<i32>} : memref<3x4x128xi32, #tpu.memory_space<vmem>>, vector<16xi32>,
    %and3A_448 = arith.andi %get3A_447, %broadcast_in_dim3A_193 : vector<16xi32>
    %convert_element_type3A_449 = arith.sitofp %and3A_448 : vector<16xi32> to vector<16xf32>
    %sub3A_450 = arith.subf %convert_element_type3A_449, %get3A_186 : vector<16xf32>
    %mul3A_451 = arith.mulf %sub3A_450, %get3A_190 : vector<16xf32>
    %iota3A_452 = tpu.iota {dimensions = array<i32: 0>} : vector<16xi32>
    %add3A_453 = arith.constant 288 : i32
    %add3A_454 = vector.broadcast %add3A_453 : i32 to vector<16xi32>
    %add3A_455 = arith.addi %iota3A_452, %add3A_454 : vector<16xi32>
    tpu.vector_store_idx %arg14[%add3A_455, %broadcast_in_dim3A_191], %mul3A_451 : memref<512x1xf32, #tpu.memory_space<vmem>>[vector<16xi32>, vector<16xi32>], vector<16xf32>,
    %get3A_456 = arith.constant 2 : i32
    %get3A_457 = arith.constant 2 : i32
    %get3A_458 = arith.index_cast %get3A_456 : i32 to index
    %get3A_459 = arith.index_cast %get3A_457 : i32 to index
    %get3A_460 = arith.constant 48 : index
    %get3A_461 = tpu.vector_load %arg11[%get3A_458, %get3A_459, %get3A_460] {strides = array<i32>} : memref<3x4x128xi32, #tpu.memory_space<vmem>>, vector<16xi32>,
    %and3A_462 = arith.andi %get3A_461, %broadcast_in_dim3A_193 : vector<16xi32>
    %convert_element_type3A_463 = arith.sitofp %and3A_462 : vector<16xi32> to vector<16xf32>
    %sub3A_464 = arith.subf %convert_element_type3A_463, %get3A_186 : vector<16xf32>
    %mul3A_465 = arith.mulf %sub3A_464, %get3A_190 : vector<16xf32>
    %iota3A_466 = tpu.iota {dimensions = array<i32: 0>} : vector<16xi32>
    %add3A_467 = arith.constant 304 : i32
    %add3A_468 = vector.broadcast %add3A_467 : i32 to vector<16xi32>
    %add3A_469 = arith.addi %iota3A_466, %add3A_468 : vector<16xi32>
    tpu.vector_store_idx %arg14[%add3A_469, %broadcast_in_dim3A_191], %mul3A_465 : memref<512x1xf32, #tpu.memory_space<vmem>>[vector<16xi32>, vector<16xi32>], vector<16xf32>,
    %get3A_470 = arith.constant 2 : i32
    %get3A_471 = arith.constant 2 : i32
    %get3A_472 = arith.index_cast %get3A_470 : i32 to index
    %get3A_473 = arith.index_cast %get3A_471 : i32 to index
    %get3A_474 = arith.constant 64 : index
    %get3A_475 = tpu.vector_load %arg11[%get3A_472, %get3A_473, %get3A_474] {strides = array<i32>} : memref<3x4x128xi32, #tpu.memory_space<vmem>>, vector<16xi32>,
    %and3A_476 = arith.andi %get3A_475, %broadcast_in_dim3A_193 : vector<16xi32>
    %convert_element_type3A_477 = arith.sitofp %and3A_476 : vector<16xi32> to vector<16xf32>
    %sub3A_478 = arith.subf %convert_element_type3A_477, %get3A_186 : vector<16xf32>
    %mul3A_479 = arith.mulf %sub3A_478, %get3A_190 : vector<16xf32>
    %iota3A_480 = tpu.iota {dimensions = array<i32: 0>} : vector<16xi32>
    %add3A_481 = arith.constant 320 : i32
    %add3A_482 = vector.broadcast %add3A_481 : i32 to vector<16xi32>
    %add3A_483 = arith.addi %iota3A_480, %add3A_482 : vector<16xi32>
    tpu.vector_store_idx %arg14[%add3A_483, %broadcast_in_dim3A_191], %mul3A_479 : memref<512x1xf32, #tpu.memory_space<vmem>>[vector<16xi32>, vector<16xi32>], vector<16xf32>,
    %get3A_484 = arith.constant 2 : i32
    %get3A_485 = arith.constant 2 : i32
    %get3A_486 = arith.index_cast %get3A_484 : i32 to index
    %get3A_487 = arith.index_cast %get3A_485 : i32 to index
    %get3A_488 = arith.constant 80 : index
    %get3A_489 = tpu.vector_load %arg11[%get3A_486, %get3A_487, %get3A_488] {strides = array<i32>} : memref<3x4x128xi32, #tpu.memory_space<vmem>>, vector<16xi32>,
    %and3A_490 = arith.andi %get3A_489, %broadcast_in_dim3A_193 : vector<16xi32>
    %convert_element_type3A_491 = arith.sitofp %and3A_490 : vector<16xi32> to vector<16xf32>
    %sub3A_492 = arith.subf %convert_element_type3A_491, %get3A_186 : vector<16xf32>
    %mul3A_493 = arith.mulf %sub3A_492, %get3A_190 : vector<16xf32>
    %iota3A_494 = tpu.iota {dimensions = array<i32: 0>} : vector<16xi32>
    %add3A_495 = arith.constant 336 : i32
    %add3A_496 = vector.broadcast %add3A_495 : i32 to vector<16xi32>
    %add3A_497 = arith.addi %iota3A_494, %add3A_496 : vector<16xi32>
    tpu.vector_store_idx %arg14[%add3A_497, %broadcast_in_dim3A_191], %mul3A_493 : memref<512x1xf32, #tpu.memory_space<vmem>>[vector<16xi32>, vector<16xi32>], vector<16xf32>,
    %get3A_498 = arith.constant 2 : i32
    %get3A_499 = arith.constant 2 : i32
    %get3A_500 = arith.index_cast %get3A_498 : i32 to index
    %get3A_501 = arith.index_cast %get3A_499 : i32 to index
    %get3A_502 = arith.constant 96 : index
    %get3A_503 = tpu.vector_load %arg11[%get3A_500, %get3A_501, %get3A_502] {strides = array<i32>} : memref<3x4x128xi32, #tpu.memory_space<vmem>>, vector<16xi32>,
    %and3A_504 = arith.andi %get3A_503, %broadcast_in_dim3A_193 : vector<16xi32>
    %convert_element_type3A_505 = arith.sitofp %and3A_504 : vector<16xi32> to vector<16xf32>
    %sub3A_506 = arith.subf %convert_element_type3A_505, %get3A_186 : vector<16xf32>
    %mul3A_507 = arith.mulf %sub3A_506, %get3A_190 : vector<16xf32>
    %iota3A_508 = tpu.iota {dimensions = array<i32: 0>} : vector<16xi32>
    %add3A_509 = arith.constant 352 : i32
    %add3A_510 = vector.broadcast %add3A_509 : i32 to vector<16xi32>
    %add3A_511 = arith.addi %iota3A_508, %add3A_510 : vector<16xi32>
    tpu.vector_store_idx %arg14[%add3A_511, %broadcast_in_dim3A_191], %mul3A_507 : memref<512x1xf32, #tpu.memory_space<vmem>>[vector<16xi32>, vector<16xi32>], vector<16xf32>,
    %get3A_512 = arith.constant 2 : i32
    %get3A_513 = arith.constant 2 : i32
    %get3A_514 = arith.index_cast %get3A_512 : i32 to index
    %get3A_515 = arith.index_cast %get3A_513 : i32 to index
    %get3A_516 = arith.constant 112 : index
    %get3A_517 = tpu.vector_load %arg11[%get3A_514, %get3A_515, %get3A_516] {strides = array<i32>} : memref<3x4x128xi32, #tpu.memory_space<vmem>>, vector<16xi32>,
    %and3A_518 = arith.andi %get3A_517, %broadcast_in_dim3A_193 : vector<16xi32>
    %convert_element_type3A_519 = arith.sitofp %and3A_518 : vector<16xi32> to vector<16xf32>
    %sub3A_520 = arith.subf %convert_element_type3A_519, %get3A_186 : vector<16xf32>
    %mul3A_521 = arith.mulf %sub3A_520, %get3A_190 : vector<16xf32>
    %iota3A_522 = tpu.iota {dimensions = array<i32: 0>} : vector<16xi32>
    %add3A_523 = arith.constant 368 : i32
    %add3A_524 = vector.broadcast %add3A_523 : i32 to vector<16xi32>
    %add3A_525 = arith.addi %iota3A_522, %add3A_524 : vector<16xi32>
    tpu.vector_store_idx %arg14[%add3A_525, %broadcast_in_dim3A_191], %mul3A_521 : memref<512x1xf32, #tpu.memory_space<vmem>>[vector<16xi32>, vector<16xi32>], vector<16xf32>,
    %get3A_526 = arith.constant 2 : i32
    %get3A_527 = arith.constant 3 : i32
    %get3A_528 = arith.index_cast %get3A_526 : i32 to index
    %get3A_529 = arith.index_cast %get3A_527 : i32 to index
    %get3A_530 = arith.constant 0 : index
    %get3A_531 = tpu.vector_load %arg11[%get3A_528, %get3A_529, %get3A_530] {strides = array<i32>} : memref<3x4x128xi32, #tpu.memory_space<vmem>>, vector<16xi32>,
    %and3A_532 = arith.andi %get3A_531, %broadcast_in_dim3A_193 : vector<16xi32>
    %convert_element_type3A_533 = arith.sitofp %and3A_532 : vector<16xi32> to vector<16xf32>
    %sub3A_534 = arith.subf %convert_element_type3A_533, %get3A_186 : vector<16xf32>
    %mul3A_535 = arith.mulf %sub3A_534, %get3A_190 : vector<16xf32>
    %iota3A_536 = tpu.iota {dimensions = array<i32: 0>} : vector<16xi32>
    %add3A_537 = arith.constant 384 : i32
    %add3A_538 = vector.broadcast %add3A_537 : i32 to vector<16xi32>
    %add3A_539 = arith.addi %iota3A_536, %add3A_538 : vector<16xi32>
    tpu.vector_store_idx %arg14[%add3A_539, %broadcast_in_dim3A_191], %mul3A_535 : memref<512x1xf32, #tpu.memory_space<vmem>>[vector<16xi32>, vector<16xi32>], vector<16xf32>,
    %get3A_540 = arith.constant 2 : i32
    %get3A_541 = arith.constant 3 : i32
    %get3A_542 = arith.index_cast %get3A_540 : i32 to index
    %get3A_543 = arith.index_cast %get3A_541 : i32 to index
    %get3A_544 = arith.constant 16 : index
    %get3A_545 = tpu.vector_load %arg11[%get3A_542, %get3A_543, %get3A_544] {strides = array<i32>} : memref<3x4x128xi32, #tpu.memory_space<vmem>>, vector<16xi32>,
    %and3A_546 = arith.andi %get3A_545, %broadcast_in_dim3A_193 : vector<16xi32>
    %convert_element_type3A_547 = arith.sitofp %and3A_546 : vector<16xi32> to vector<16xf32>
    %sub3A_548 = arith.subf %convert_element_type3A_547, %get3A_186 : vector<16xf32>
    %mul3A_549 = arith.mulf %sub3A_548, %get3A_190 : vector<16xf32>
    %iota3A_550 = tpu.iota {dimensions = array<i32: 0>} : vector<16xi32>
    %add3A_551 = arith.constant 400 : i32
    %add3A_552 = vector.broadcast %add3A_551 : i32 to vector<16xi32>
    %add3A_553 = arith.addi %iota3A_550, %add3A_552 : vector<16xi32>
    tpu.vector_store_idx %arg14[%add3A_553, %broadcast_in_dim3A_191], %mul3A_549 : memref<512x1xf32, #tpu.memory_space<vmem>>[vector<16xi32>, vector<16xi32>], vector<16xf32>,
    %get3A_554 = arith.constant 2 : i32
    %get3A_555 = arith.constant 3 : i32
    %get3A_556 = arith.index_cast %get3A_554 : i32 to index
    %get3A_557 = arith.index_cast %get3A_555 : i32 to index
    %get3A_558 = arith.constant 32 : index
    %get3A_559 = tpu.vector_load %arg11[%get3A_556, %get3A_557, %get3A_558] {strides = array<i32>} : memref<3x4x128xi32, #tpu.memory_space<vmem>>, vector<16xi32>,
    %and3A_560 = arith.andi %get3A_559, %broadcast_in_dim3A_193 : vector<16xi32>
    %convert_element_type3A_561 = arith.sitofp %and3A_560 : vector<16xi32> to vector<16xf32>
    %sub3A_562 = arith.subf %convert_element_type3A_561, %get3A_186 : vector<16xf32>
    %mul3A_563 = arith.mulf %sub3A_562, %get3A_190 : vector<16xf32>
    %iota3A_564 = tpu.iota {dimensions = array<i32: 0>} : vector<16xi32>
    %add3A_565 = arith.constant 416 : i32
    %add3A_566 = vector.broadcast %add3A_565 : i32 to vector<16xi32>
    %add3A_567 = arith.addi %iota3A_564, %add3A_566 : vector<16xi32>
    tpu.vector_store_idx %arg14[%add3A_567, %broadcast_in_dim3A_191], %mul3A_563 : memref<512x1xf32, #tpu.memory_space<vmem>>[vector<16xi32>, vector<16xi32>], vector<16xf32>,
    %get3A_568 = arith.constant 2 : i32
    %get3A_569 = arith.constant 3 : i32
    %get3A_570 = arith.index_cast %get3A_568 : i32 to index
    %get3A_571 = arith.index_cast %get3A_569 : i32 to index
    %get3A_572 = arith.constant 48 : index
    %get3A_573 = tpu.vector_load %arg11[%get3A_570, %get3A_571, %get3A_572] {strides = array<i32>} : memref<3x4x128xi32, #tpu.memory_space<vmem>>, vector<16xi32>,
    %and3A_574 = arith.andi %get3A_573, %broadcast_in_dim3A_193 : vector<16xi32>
    %convert_element_type3A_575 = arith.sitofp %and3A_574 : vector<16xi32> to vector<16xf32>
    %sub3A_576 = arith.subf %convert_element_type3A_575, %get3A_186 : vector<16xf32>
    %mul3A_577 = arith.mulf %sub3A_576, %get3A_190 : vector<16xf32>
    %iota3A_578 = tpu.iota {dimensions = array<i32: 0>} : vector<16xi32>
    %add3A_579 = arith.constant 432 : i32
    %add3A_580 = vector.broadcast %add3A_579 : i32 to vector<16xi32>
    %add3A_581 = arith.addi %iota3A_578, %add3A_580 : vector<16xi32>
    tpu.vector_store_idx %arg14[%add3A_581, %broadcast_in_dim3A_191], %mul3A_577 : memref<512x1xf32, #tpu.memory_space<vmem>>[vector<16xi32>, vector<16xi32>], vector<16xf32>,
    %get3A_582 = arith.constant 2 : i32
    %get3A_583 = arith.constant 3 : i32
    %get3A_584 = arith.index_cast %get3A_582 : i32 to index
    %get3A_585 = arith.index_cast %get3A_583 : i32 to index
    %get3A_586 = arith.constant 64 : index
    %get3A_587 = tpu.vector_load %arg11[%get3A_584, %get3A_585, %get3A_586] {strides = array<i32>} : memref<3x4x128xi32, #tpu.memory_space<vmem>>, vector<16xi32>,
    %and3A_588 = arith.andi %get3A_587, %broadcast_in_dim3A_193 : vector<16xi32>
    %convert_element_type3A_589 = arith.sitofp %and3A_588 : vector<16xi32> to vector<16xf32>
    %sub3A_590 = arith.subf %convert_element_type3A_589, %get3A_186 : vector<16xf32>
    %mul3A_591 = arith.mulf %sub3A_590, %get3A_190 : vector<16xf32>
    %iota3A_592 = tpu.iota {dimensions = array<i32: 0>} : vector<16xi32>
    %add3A_593 = arith.constant 448 : i32
    %add3A_594 = vector.broadcast %add3A_593 : i32 to vector<16xi32>
    %add3A_595 = arith.addi %iota3A_592, %add3A_594 : vector<16xi32>
    tpu.vector_store_idx %arg14[%add3A_595, %broadcast_in_dim3A_191], %mul3A_591 : memref<512x1xf32, #tpu.memory_space<vmem>>[vector<16xi32>, vector<16xi32>], vector<16xf32>,
    %get3A_596 = arith.constant 2 : i32
    %get3A_597 = arith.constant 3 : i32
    %get3A_598 = arith.index_cast %get3A_596 : i32 to index
    %get3A_599 = arith.index_cast %get3A_597 : i32 to index
    %get3A_600 = arith.constant 80 : index
    %get3A_601 = tpu.vector_load %arg11[%get3A_598, %get3A_599, %get3A_600] {strides = array<i32>} : memref<3x4x128xi32, #tpu.memory_space<vmem>>, vector<16xi32>,
    %and3A_602 = arith.andi %get3A_601, %broadcast_in_dim3A_193 : vector<16xi32>
    %convert_element_type3A_603 = arith.sitofp %and3A_602 : vector<16xi32> to vector<16xf32>
    %sub3A_604 = arith.subf %convert_element_type3A_603, %get3A_186 : vector<16xf32>
    %mul3A_605 = arith.mulf %sub3A_604, %get3A_190 : vector<16xf32>
    %iota3A_606 = tpu.iota {dimensions = array<i32: 0>} : vector<16xi32>
    %add3A_607 = arith.constant 464 : i32
    %add3A_608 = vector.broadcast %add3A_607 : i32 to vector<16xi32>
    %add3A_609 = arith.addi %iota3A_606, %add3A_608 : vector<16xi32>
    tpu.vector_store_idx %arg14[%add3A_609, %broadcast_in_dim3A_191], %mul3A_605 : memref<512x1xf32, #tpu.memory_space<vmem>>[vector<16xi32>, vector<16xi32>], vector<16xf32>,
    %get3A_610 = arith.constant 2 : i32
    %get3A_611 = arith.constant 3 : i32
    %get3A_612 = arith.index_cast %get3A_610 : i32 to index
    %get3A_613 = arith.index_cast %get3A_611 : i32 to index
    %get3A_614 = arith.constant 96 : index
    %get3A_615 = tpu.vector_load %arg11[%get3A_612, %get3A_613, %get3A_614] {strides = array<i32>} : memref<3x4x128xi32, #tpu.memory_space<vmem>>, vector<16xi32>,
    %and3A_616 = arith.andi %get3A_615, %broadcast_in_dim3A_193 : vector<16xi32>
    %convert_element_type3A_617 = arith.sitofp %and3A_616 : vector<16xi32> to vector<16xf32>
    %sub3A_618 = arith.subf %convert_element_type3A_617, %get3A_186 : vector<16xf32>
    %mul3A_619 = arith.mulf %sub3A_618, %get3A_190 : vector<16xf32>
    %iota3A_620 = tpu.iota {dimensions = array<i32: 0>} : vector<16xi32>
    %add3A_621 = arith.constant 480 : i32
    %add3A_622 = vector.broadcast %add3A_621 : i32 to vector<16xi32>
    %add3A_623 = arith.addi %iota3A_620, %add3A_622 : vector<16xi32>
    tpu.vector_store_idx %arg14[%add3A_623, %broadcast_in_dim3A_191], %mul3A_619 : memref<512x1xf32, #tpu.memory_space<vmem>>[vector<16xi32>, vector<16xi32>], vector<16xf32>,
    %get3A_624 = arith.constant 2 : i32
    %get3A_625 = arith.constant 3 : i32
    %get3A_626 = arith.index_cast %get3A_624 : i32 to index
    %get3A_627 = arith.index_cast %get3A_625 : i32 to index
    %get3A_628 = arith.constant 112 : index
    %get3A_629 = tpu.vector_load %arg11[%get3A_626, %get3A_627, %get3A_628] {strides = array<i32>} : memref<3x4x128xi32, #tpu.memory_space<vmem>>, vector<16xi32>,
    %and3A_630 = arith.andi %get3A_629, %broadcast_in_dim3A_193 : vector<16xi32>
    %convert_element_type3A_631 = arith.sitofp %and3A_630 : vector<16xi32> to vector<16xf32>
    %sub3A_632 = arith.subf %convert_element_type3A_631, %get3A_186 : vector<16xf32>
    %mul3A_633 = arith.mulf %sub3A_632, %get3A_190 : vector<16xf32>
    %iota3A_634 = tpu.iota {dimensions = array<i32: 0>} : vector<16xi32>
    %add3A_635 = arith.constant 496 : i32
    %add3A_636 = vector.broadcast %add3A_635 : i32 to vector<16xi32>
    %add3A_637 = arith.addi %iota3A_634, %add3A_636 : vector<16xi32>
    tpu.vector_store_idx %arg14[%add3A_637, %broadcast_in_dim3A_191], %mul3A_633 : memref<512x1xf32, #tpu.memory_space<vmem>>[vector<16xi32>, vector<16xi32>], vector<16xf32>,
    %dma_wait3A = arith.constant 0 : i32
    %dma_wait3A_638 = arith.constant 0 : i32
    %dma_wait3A_639 = arith.constant 0 : i32
    %dma_wait3A_640 = arith.constant 0 : i32
    %dma_wait3A_641 = arith.constant 0 : i32
    %dma_wait3A_642 = tpu.memref_slice %arg12[%dma_wait3A_639, %dma_wait3A_640, %dma_wait3A_641] : memref<2x512x32xf32, #tpu.memory_space<vmem>> -> memref<1x512x32xf32, #tpu.memory_space<vmem>>
    %dma_wait3A_643 = tpu.memref_squeeze %dma_wait3A_642 : memref<1x512x32xf32, #tpu.memory_space<vmem>> -> memref<512x32xf32, #tpu.memory_space<vmem>>
    %dma_wait3A_644 = arith.constant 0 : i32
    %dma_wait3A_645 = arith.constant 0 : i32
    %dma_wait3A_646 = tpu.memref_slice %dma_wait3A_643[%dma_wait3A_644, %dma_wait3A_645] : memref<512x32xf32, #tpu.memory_space<vmem>> -> memref<128x32xf32, #tpu.memory_space<vmem>>
    %dma_wait3A_647 = arith.constant 0 : i32
    %dma_wait3A_648 = tpu.memref_slice %arg11[%dma_wait3A, %dma_wait3A_638, %dma_wait3A_647] : memref<3x4x128xi32, #tpu.memory_space<vmem>> -> memref<1x1x128xi32, #tpu.memory_space<vmem>>
    %dma_wait3A_649 = tpu.memref_squeeze %dma_wait3A_648 : memref<1x1x128xi32, #tpu.memory_space<vmem>> -> memref<128xi32, #tpu.memory_space<vmem>>
    %dma_wait3A_650 = arith.constant 0 : i32
    %dma_wait3A_651 = arith.constant 0 : i32
    %dma_wait3A_652 = tpu.memref_slice %arg7[%dma_wait3A_650, %dma_wait3A_651] : memref<1000001x32xf32, #tpu.memory_space<hbm>> -> memref<1000001x32xf32, #tpu.memory_space<hbm>>
    tpu.wait_indirect_dma semaphore(%arg16 : memref<!tpu.dma_semaphore, #tpu.memory_space<semaphore_mem>>) src(%dma_wait3A_652 : memref<1000001x32xf32, #tpu.memory_space<hbm>>) dst(%dma_wait3A_646 : memref<128x32xf32, #tpu.memory_space<vmem>>)
    %dma_wait3A_653 = arith.constant 0 : i32
    %dma_wait3A_654 = arith.constant 1 : i32
    %dma_wait3A_655 = arith.constant 0 : i32
    %dma_wait3A_656 = arith.constant 0 : i32
    %dma_wait3A_657 = arith.constant 0 : i32
    %dma_wait3A_658 = tpu.memref_slice %arg12[%dma_wait3A_655, %dma_wait3A_656, %dma_wait3A_657] : memref<2x512x32xf32, #tpu.memory_space<vmem>> -> memref<1x512x32xf32, #tpu.memory_space<vmem>>
    %dma_wait3A_659 = tpu.memref_squeeze %dma_wait3A_658 : memref<1x512x32xf32, #tpu.memory_space<vmem>> -> memref<512x32xf32, #tpu.memory_space<vmem>>
    %dma_wait3A_660 = arith.constant 128 : i32
    %dma_wait3A_661 = arith.constant 0 : i32
    %dma_wait3A_662 = tpu.memref_slice %dma_wait3A_659[%dma_wait3A_660, %dma_wait3A_661] : memref<512x32xf32, #tpu.memory_space<vmem>> -> memref<128x32xf32, #tpu.memory_space<vmem>>
    %dma_wait3A_663 = arith.constant 0 : i32
    %dma_wait3A_664 = tpu.memref_slice %arg11[%dma_wait3A_653, %dma_wait3A_654, %dma_wait3A_663] : memref<3x4x128xi32, #tpu.memory_space<vmem>> -> memref<1x1x128xi32, #tpu.memory_space<vmem>>
    %dma_wait3A_665 = tpu.memref_squeeze %dma_wait3A_664 : memref<1x1x128xi32, #tpu.memory_space<vmem>> -> memref<128xi32, #tpu.memory_space<vmem>>
    %dma_wait3A_666 = arith.constant 0 : i32
    %dma_wait3A_667 = arith.constant 0 : i32
    %dma_wait3A_668 = tpu.memref_slice %arg7[%dma_wait3A_666, %dma_wait3A_667] : memref<1000001x32xf32, #tpu.memory_space<hbm>> -> memref<1000001x32xf32, #tpu.memory_space<hbm>>
    tpu.wait_indirect_dma semaphore(%arg16 : memref<!tpu.dma_semaphore, #tpu.memory_space<semaphore_mem>>) src(%dma_wait3A_668 : memref<1000001x32xf32, #tpu.memory_space<hbm>>) dst(%dma_wait3A_662 : memref<128x32xf32, #tpu.memory_space<vmem>>)
    %dma_wait3A_669 = arith.constant 0 : i32
    %dma_wait3A_670 = arith.constant 2 : i32
    %dma_wait3A_671 = arith.constant 0 : i32
    %dma_wait3A_672 = arith.constant 0 : i32
    %dma_wait3A_673 = arith.constant 0 : i32
    %dma_wait3A_674 = tpu.memref_slice %arg12[%dma_wait3A_671, %dma_wait3A_672, %dma_wait3A_673] : memref<2x512x32xf32, #tpu.memory_space<vmem>> -> memref<1x512x32xf32, #tpu.memory_space<vmem>>
    %dma_wait3A_675 = tpu.memref_squeeze %dma_wait3A_674 : memref<1x512x32xf32, #tpu.memory_space<vmem>> -> memref<512x32xf32, #tpu.memory_space<vmem>>
    %dma_wait3A_676 = arith.constant 256 : i32
    %dma_wait3A_677 = arith.constant 0 : i32
    %dma_wait3A_678 = tpu.memref_slice %dma_wait3A_675[%dma_wait3A_676, %dma_wait3A_677] : memref<512x32xf32, #tpu.memory_space<vmem>> -> memref<128x32xf32, #tpu.memory_space<vmem>>
    %dma_wait3A_679 = arith.constant 0 : i32
    %dma_wait3A_680 = tpu.memref_slice %arg11[%dma_wait3A_669, %dma_wait3A_670, %dma_wait3A_679] : memref<3x4x128xi32, #tpu.memory_space<vmem>> -> memref<1x1x128xi32, #tpu.memory_space<vmem>>
    %dma_wait3A_681 = tpu.memref_squeeze %dma_wait3A_680 : memref<1x1x128xi32, #tpu.memory_space<vmem>> -> memref<128xi32, #tpu.memory_space<vmem>>
    %dma_wait3A_682 = arith.constant 0 : i32
    %dma_wait3A_683 = arith.constant 0 : i32
    %dma_wait3A_684 = tpu.memref_slice %arg7[%dma_wait3A_682, %dma_wait3A_683] : memref<1000001x32xf32, #tpu.memory_space<hbm>> -> memref<1000001x32xf32, #tpu.memory_space<hbm>>
    tpu.wait_indirect_dma semaphore(%arg16 : memref<!tpu.dma_semaphore, #tpu.memory_space<semaphore_mem>>) src(%dma_wait3A_684 : memref<1000001x32xf32, #tpu.memory_space<hbm>>) dst(%dma_wait3A_678 : memref<128x32xf32, #tpu.memory_space<vmem>>)
    %dma_wait3A_685 = arith.constant 0 : i32
    %dma_wait3A_686 = arith.constant 3 : i32
    %dma_wait3A_687 = arith.constant 0 : i32
    %dma_wait3A_688 = arith.constant 0 : i32
    %dma_wait3A_689 = arith.constant 0 : i32
    %dma_wait3A_690 = tpu.memref_slice %arg12[%dma_wait3A_687, %dma_wait3A_688, %dma_wait3A_689] : memref<2x512x32xf32, #tpu.memory_space<vmem>> -> memref<1x512x32xf32, #tpu.memory_space<vmem>>
    %dma_wait3A_691 = tpu.memref_squeeze %dma_wait3A_690 : memref<1x512x32xf32, #tpu.memory_space<vmem>> -> memref<512x32xf32, #tpu.memory_space<vmem>>
    %dma_wait3A_692 = arith.constant 384 : i32
    %dma_wait3A_693 = arith.constant 0 : i32
    %dma_wait3A_694 = tpu.memref_slice %dma_wait3A_691[%dma_wait3A_692, %dma_wait3A_693] : memref<512x32xf32, #tpu.memory_space<vmem>> -> memref<128x32xf32, #tpu.memory_space<vmem>>
    %dma_wait3A_695 = arith.constant 0 : i32
    %dma_wait3A_696 = tpu.memref_slice %arg11[%dma_wait3A_685, %dma_wait3A_686, %dma_wait3A_695] : memref<3x4x128xi32, #tpu.memory_space<vmem>> -> memref<1x1x128xi32, #tpu.memory_space<vmem>>
    %dma_wait3A_697 = tpu.memref_squeeze %dma_wait3A_696 : memref<1x1x128xi32, #tpu.memory_space<vmem>> -> memref<128xi32, #tpu.memory_space<vmem>>
    %dma_wait3A_698 = arith.constant 0 : i32
    %dma_wait3A_699 = arith.constant 0 : i32
    %dma_wait3A_700 = tpu.memref_slice %arg7[%dma_wait3A_698, %dma_wait3A_699] : memref<1000001x32xf32, #tpu.memory_space<hbm>> -> memref<1000001x32xf32, #tpu.memory_space<hbm>>
    tpu.wait_indirect_dma semaphore(%arg16 : memref<!tpu.dma_semaphore, #tpu.memory_space<semaphore_mem>>) src(%dma_wait3A_700 : memref<1000001x32xf32, #tpu.memory_space<hbm>>) dst(%dma_wait3A_694 : memref<128x32xf32, #tpu.memory_space<vmem>>)
    %dma_wait3A_701 = arith.constant 1 : i32
    %dma_wait3A_702 = arith.constant 0 : i32
    %dma_wait3A_703 = arith.constant 1 : i32
    %dma_wait3A_704 = arith.constant 0 : i32
    %dma_wait3A_705 = arith.constant 0 : i32
    %dma_wait3A_706 = tpu.memref_slice %arg12[%dma_wait3A_703, %dma_wait3A_704, %dma_wait3A_705] : memref<2x512x32xf32, #tpu.memory_space<vmem>> -> memref<1x512x32xf32, #tpu.memory_space<vmem>>
    %dma_wait3A_707 = tpu.memref_squeeze %dma_wait3A_706 : memref<1x512x32xf32, #tpu.memory_space<vmem>> -> memref<512x32xf32, #tpu.memory_space<vmem>>
    %dma_wait3A_708 = arith.constant 0 : i32
    %dma_wait3A_709 = arith.constant 0 : i32
    %dma_wait3A_710 = tpu.memref_slice %dma_wait3A_707[%dma_wait3A_708, %dma_wait3A_709] : memref<512x32xf32, #tpu.memory_space<vmem>> -> memref<128x32xf32, #tpu.memory_space<vmem>>
    %dma_wait3A_711 = arith.constant 0 : i32
    %dma_wait3A_712 = tpu.memref_slice %arg11[%dma_wait3A_701, %dma_wait3A_702, %dma_wait3A_711] : memref<3x4x128xi32, #tpu.memory_space<vmem>> -> memref<1x1x128xi32, #tpu.memory_space<vmem>>
    %dma_wait3A_713 = tpu.memref_squeeze %dma_wait3A_712 : memref<1x1x128xi32, #tpu.memory_space<vmem>> -> memref<128xi32, #tpu.memory_space<vmem>>
    %dma_wait3A_714 = arith.constant 0 : i32
    %dma_wait3A_715 = arith.constant 0 : i32
    %dma_wait3A_716 = tpu.memref_slice %arg8[%dma_wait3A_714, %dma_wait3A_715] : memref<100001x32xf32, #tpu.memory_space<hbm>> -> memref<100001x32xf32, #tpu.memory_space<hbm>>
    tpu.wait_indirect_dma semaphore(%arg16 : memref<!tpu.dma_semaphore, #tpu.memory_space<semaphore_mem>>) src(%dma_wait3A_716 : memref<100001x32xf32, #tpu.memory_space<hbm>>) dst(%dma_wait3A_710 : memref<128x32xf32, #tpu.memory_space<vmem>>)
    %dma_wait3A_717 = arith.constant 1 : i32
    %dma_wait3A_718 = arith.constant 1 : i32
    %dma_wait3A_719 = arith.constant 1 : i32
    %dma_wait3A_720 = arith.constant 0 : i32
    %dma_wait3A_721 = arith.constant 0 : i32
    %dma_wait3A_722 = tpu.memref_slice %arg12[%dma_wait3A_719, %dma_wait3A_720, %dma_wait3A_721] : memref<2x512x32xf32, #tpu.memory_space<vmem>> -> memref<1x512x32xf32, #tpu.memory_space<vmem>>
    %dma_wait3A_723 = tpu.memref_squeeze %dma_wait3A_722 : memref<1x512x32xf32, #tpu.memory_space<vmem>> -> memref<512x32xf32, #tpu.memory_space<vmem>>
    %dma_wait3A_724 = arith.constant 128 : i32
    %dma_wait3A_725 = arith.constant 0 : i32
    %dma_wait3A_726 = tpu.memref_slice %dma_wait3A_723[%dma_wait3A_724, %dma_wait3A_725] : memref<512x32xf32, #tpu.memory_space<vmem>> -> memref<128x32xf32, #tpu.memory_space<vmem>>
    %dma_wait3A_727 = arith.constant 0 : i32
    %dma_wait3A_728 = tpu.memref_slice %arg11[%dma_wait3A_717, %dma_wait3A_718, %dma_wait3A_727] : memref<3x4x128xi32, #tpu.memory_space<vmem>> -> memref<1x1x128xi32, #tpu.memory_space<vmem>>
    %dma_wait3A_729 = tpu.memref_squeeze %dma_wait3A_728 : memref<1x1x128xi32, #tpu.memory_space<vmem>> -> memref<128xi32, #tpu.memory_space<vmem>>
    %dma_wait3A_730 = arith.constant 0 : i32
    %dma_wait3A_731 = arith.constant 0 : i32
    %dma_wait3A_732 = tpu.memref_slice %arg8[%dma_wait3A_730, %dma_wait3A_731] : memref<100001x32xf32, #tpu.memory_space<hbm>> -> memref<100001x32xf32, #tpu.memory_space<hbm>>
    tpu.wait_indirect_dma semaphore(%arg16 : memref<!tpu.dma_semaphore, #tpu.memory_space<semaphore_mem>>) src(%dma_wait3A_732 : memref<100001x32xf32, #tpu.memory_space<hbm>>) dst(%dma_wait3A_726 : memref<128x32xf32, #tpu.memory_space<vmem>>)
    %dma_wait3A_733 = arith.constant 1 : i32
    %dma_wait3A_734 = arith.constant 2 : i32
    %dma_wait3A_735 = arith.constant 1 : i32
    %dma_wait3A_736 = arith.constant 0 : i32
    %dma_wait3A_737 = arith.constant 0 : i32
    %dma_wait3A_738 = tpu.memref_slice %arg12[%dma_wait3A_735, %dma_wait3A_736, %dma_wait3A_737] : memref<2x512x32xf32, #tpu.memory_space<vmem>> -> memref<1x512x32xf32, #tpu.memory_space<vmem>>
    %dma_wait3A_739 = tpu.memref_squeeze %dma_wait3A_738 : memref<1x512x32xf32, #tpu.memory_space<vmem>> -> memref<512x32xf32, #tpu.memory_space<vmem>>
    %dma_wait3A_740 = arith.constant 256 : i32
    %dma_wait3A_741 = arith.constant 0 : i32
    %dma_wait3A_742 = tpu.memref_slice %dma_wait3A_739[%dma_wait3A_740, %dma_wait3A_741] : memref<512x32xf32, #tpu.memory_space<vmem>> -> memref<128x32xf32, #tpu.memory_space<vmem>>
    %dma_wait3A_743 = arith.constant 0 : i32
    %dma_wait3A_744 = tpu.memref_slice %arg11[%dma_wait3A_733, %dma_wait3A_734, %dma_wait3A_743] : memref<3x4x128xi32, #tpu.memory_space<vmem>> -> memref<1x1x128xi32, #tpu.memory_space<vmem>>
    %dma_wait3A_745 = tpu.memref_squeeze %dma_wait3A_744 : memref<1x1x128xi32, #tpu.memory_space<vmem>> -> memref<128xi32, #tpu.memory_space<vmem>>
    %dma_wait3A_746 = arith.constant 0 : i32
    %dma_wait3A_747 = arith.constant 0 : i32
    %dma_wait3A_748 = tpu.memref_slice %arg8[%dma_wait3A_746, %dma_wait3A_747] : memref<100001x32xf32, #tpu.memory_space<hbm>> -> memref<100001x32xf32, #tpu.memory_space<hbm>>
    tpu.wait_indirect_dma semaphore(%arg16 : memref<!tpu.dma_semaphore, #tpu.memory_space<semaphore_mem>>) src(%dma_wait3A_748 : memref<100001x32xf32, #tpu.memory_space<hbm>>) dst(%dma_wait3A_742 : memref<128x32xf32, #tpu.memory_space<vmem>>)
    %dma_wait3A_749 = arith.constant 1 : i32
    %dma_wait3A_750 = arith.constant 3 : i32
    %dma_wait3A_751 = arith.constant 1 : i32
    %dma_wait3A_752 = arith.constant 0 : i32
    %dma_wait3A_753 = arith.constant 0 : i32
    %dma_wait3A_754 = tpu.memref_slice %arg12[%dma_wait3A_751, %dma_wait3A_752, %dma_wait3A_753] : memref<2x512x32xf32, #tpu.memory_space<vmem>> -> memref<1x512x32xf32, #tpu.memory_space<vmem>>
    %dma_wait3A_755 = tpu.memref_squeeze %dma_wait3A_754 : memref<1x512x32xf32, #tpu.memory_space<vmem>> -> memref<512x32xf32, #tpu.memory_space<vmem>>
    %dma_wait3A_756 = arith.constant 384 : i32
    %dma_wait3A_757 = arith.constant 0 : i32
    %dma_wait3A_758 = tpu.memref_slice %dma_wait3A_755[%dma_wait3A_756, %dma_wait3A_757] : memref<512x32xf32, #tpu.memory_space<vmem>> -> memref<128x32xf32, #tpu.memory_space<vmem>>
    %dma_wait3A_759 = arith.constant 0 : i32
    %dma_wait3A_760 = tpu.memref_slice %arg11[%dma_wait3A_749, %dma_wait3A_750, %dma_wait3A_759] : memref<3x4x128xi32, #tpu.memory_space<vmem>> -> memref<1x1x128xi32, #tpu.memory_space<vmem>>
    %dma_wait3A_761 = tpu.memref_squeeze %dma_wait3A_760 : memref<1x1x128xi32, #tpu.memory_space<vmem>> -> memref<128xi32, #tpu.memory_space<vmem>>
    %dma_wait3A_762 = arith.constant 0 : i32
    %dma_wait3A_763 = arith.constant 0 : i32
    %dma_wait3A_764 = tpu.memref_slice %arg8[%dma_wait3A_762, %dma_wait3A_763] : memref<100001x32xf32, #tpu.memory_space<hbm>> -> memref<100001x32xf32, #tpu.memory_space<hbm>>
    tpu.wait_indirect_dma semaphore(%arg16 : memref<!tpu.dma_semaphore, #tpu.memory_space<semaphore_mem>>) src(%dma_wait3A_764 : memref<100001x32xf32, #tpu.memory_space<hbm>>) dst(%dma_wait3A_758 : memref<128x32xf32, #tpu.memory_space<vmem>>)
    %dma_wait3A_765 = arith.constant 2 : i32
    %dma_wait3A_766 = arith.constant 0 : i32
    %dma_wait3A_767 = arith.constant 0 : i32
    %dma_wait3A_768 = arith.constant 0 : i32
    %dma_wait3A_769 = tpu.memref_slice %arg13[%dma_wait3A_767, %dma_wait3A_768] : memref<512x64xf32, #tpu.memory_space<vmem>> -> memref<128x64xf32, #tpu.memory_space<vmem>>
    %dma_wait3A_770 = arith.constant 0 : i32
    %dma_wait3A_771 = tpu.memref_slice %arg11[%dma_wait3A_765, %dma_wait3A_766, %dma_wait3A_770] : memref<3x4x128xi32, #tpu.memory_space<vmem>> -> memref<1x1x128xi32, #tpu.memory_space<vmem>>
    %dma_wait3A_772 = tpu.memref_squeeze %dma_wait3A_771 : memref<1x1x128xi32, #tpu.memory_space<vmem>> -> memref<128xi32, #tpu.memory_space<vmem>>
    %dma_wait3A_773 = arith.constant 0 : i32
    %dma_wait3A_774 = arith.constant 0 : i32
    %dma_wait3A_775 = tpu.memref_slice %arg9[%dma_wait3A_773, %dma_wait3A_774] : memref<24x64xf32, #tpu.memory_space<hbm>> -> memref<24x64xf32, #tpu.memory_space<hbm>>
    tpu.wait_indirect_dma semaphore(%arg16 : memref<!tpu.dma_semaphore, #tpu.memory_space<semaphore_mem>>) src(%dma_wait3A_775 : memref<24x64xf32, #tpu.memory_space<hbm>>) dst(%dma_wait3A_769 : memref<128x64xf32, #tpu.memory_space<vmem>>)
    %dma_wait3A_776 = arith.constant 2 : i32
    %dma_wait3A_777 = arith.constant 1 : i32
    %dma_wait3A_778 = arith.constant 128 : i32
    %dma_wait3A_779 = arith.constant 0 : i32
    %dma_wait3A_780 = tpu.memref_slice %arg13[%dma_wait3A_778, %dma_wait3A_779] : memref<512x64xf32, #tpu.memory_space<vmem>> -> memref<128x64xf32, #tpu.memory_space<vmem>>
    %dma_wait3A_781 = arith.constant 0 : i32
    %dma_wait3A_782 = tpu.memref_slice %arg11[%dma_wait3A_776, %dma_wait3A_777, %dma_wait3A_781] : memref<3x4x128xi32, #tpu.memory_space<vmem>> -> memref<1x1x128xi32, #tpu.memory_space<vmem>>
    %dma_wait3A_783 = tpu.memref_squeeze %dma_wait3A_782 : memref<1x1x128xi32, #tpu.memory_space<vmem>> -> memref<128xi32, #tpu.memory_space<vmem>>
    %dma_wait3A_784 = arith.constant 0 : i32
    %dma_wait3A_785 = arith.constant 0 : i32
    %dma_wait3A_786 = tpu.memref_slice %arg9[%dma_wait3A_784, %dma_wait3A_785] : memref<24x64xf32, #tpu.memory_space<hbm>> -> memref<24x64xf32, #tpu.memory_space<hbm>>
    tpu.wait_indirect_dma semaphore(%arg16 : memref<!tpu.dma_semaphore, #tpu.memory_space<semaphore_mem>>) src(%dma_wait3A_786 : memref<24x64xf32, #tpu.memory_space<hbm>>) dst(%dma_wait3A_780 : memref<128x64xf32, #tpu.memory_space<vmem>>)
    %dma_wait3A_787 = arith.constant 2 : i32
    %dma_wait3A_788 = arith.constant 2 : i32
    %dma_wait3A_789 = arith.constant 256 : i32
    %dma_wait3A_790 = arith.constant 0 : i32
    %dma_wait3A_791 = tpu.memref_slice %arg13[%dma_wait3A_789, %dma_wait3A_790] : memref<512x64xf32, #tpu.memory_space<vmem>> -> memref<128x64xf32, #tpu.memory_space<vmem>>
    %dma_wait3A_792 = arith.constant 0 : i32
    %dma_wait3A_793 = tpu.memref_slice %arg11[%dma_wait3A_787, %dma_wait3A_788, %dma_wait3A_792] : memref<3x4x128xi32, #tpu.memory_space<vmem>> -> memref<1x1x128xi32, #tpu.memory_space<vmem>>
    %dma_wait3A_794 = tpu.memref_squeeze %dma_wait3A_793 : memref<1x1x128xi32, #tpu.memory_space<vmem>> -> memref<128xi32, #tpu.memory_space<vmem>>
    %dma_wait3A_795 = arith.constant 0 : i32
    %dma_wait3A_796 = arith.constant 0 : i32
    %dma_wait3A_797 = tpu.memref_slice %arg9[%dma_wait3A_795, %dma_wait3A_796] : memref<24x64xf32, #tpu.memory_space<hbm>> -> memref<24x64xf32, #tpu.memory_space<hbm>>
    tpu.wait_indirect_dma semaphore(%arg16 : memref<!tpu.dma_semaphore, #tpu.memory_space<semaphore_mem>>) src(%dma_wait3A_797 : memref<24x64xf32, #tpu.memory_space<hbm>>) dst(%dma_wait3A_791 : memref<128x64xf32, #tpu.memory_space<vmem>>)
    %dma_wait3A_798 = arith.constant 2 : i32
    %dma_wait3A_799 = arith.constant 3 : i32
    %dma_wait3A_800 = arith.constant 384 : i32
    %dma_wait3A_801 = arith.constant 0 : i32
    %dma_wait3A_802 = tpu.memref_slice %arg13[%dma_wait3A_800, %dma_wait3A_801] : memref<512x64xf32, #tpu.memory_space<vmem>> -> memref<128x64xf32, #tpu.memory_space<vmem>>
    %dma_wait3A_803 = arith.constant 0 : i32
    %dma_wait3A_804 = tpu.memref_slice %arg11[%dma_wait3A_798, %dma_wait3A_799, %dma_wait3A_803] : memref<3x4x128xi32, #tpu.memory_space<vmem>> -> memref<1x1x128xi32, #tpu.memory_space<vmem>>
    %dma_wait3A_805 = tpu.memref_squeeze %dma_wait3A_804 : memref<1x1x128xi32, #tpu.memory_space<vmem>> -> memref<128xi32, #tpu.memory_space<vmem>>
    %dma_wait3A_806 = arith.constant 0 : i32
    %dma_wait3A_807 = arith.constant 0 : i32
    %dma_wait3A_808 = tpu.memref_slice %arg9[%dma_wait3A_806, %dma_wait3A_807] : memref<24x64xf32, #tpu.memory_space<hbm>> -> memref<24x64xf32, #tpu.memory_space<hbm>>
    tpu.wait_indirect_dma semaphore(%arg16 : memref<!tpu.dma_semaphore, #tpu.memory_space<semaphore_mem>>) src(%dma_wait3A_808 : memref<24x64xf32, #tpu.memory_space<hbm>>) dst(%dma_wait3A_802 : memref<128x64xf32, #tpu.memory_space<vmem>>)
    %dma_start3A_809 = arith.constant 0 : i32
    %dma_start3A_810 = arith.constant 0 : i32
    %dma_start3A_811 = arith.constant 0 : i32
    %dma_start3A_812 = tpu.memref_slice %arg12[%dma_start3A_809, %dma_start3A_810, %dma_start3A_811] : memref<2x512x32xf32, #tpu.memory_space<vmem>> -> memref<1x512x32xf32, #tpu.memory_space<vmem>>
    %dma_start3A_813 = tpu.memref_squeeze %dma_start3A_812 : memref<1x512x32xf32, #tpu.memory_space<vmem>> -> memref<512x32xf32, #tpu.memory_space<vmem>>
    %dma_start3A_814 = arith.constant 0 : i32
    %dma_start3A_815 = tpu.memref_slice %arg10[%mul3A_2, %dma_start3A_814] : memref<16384x129xf32, #tpu.memory_space<hbm>> -> memref<512x32xf32, #tpu.memory_space<hbm>>
    %dma_start3A_816 = arith.constant 0 : i32
    %dma_start3A_817 = tpu.memref_slice %arg10[%mul3A_2, %dma_start3A_816] : memref<16384x129xf32, #tpu.memory_space<hbm>> -> memref<512x32xf32, #tpu.memory_space<hbm>>
    %dma_start3A_818 = arith.constant 0 : i32
    %dma_start3A_819 = arith.constant 0 : i32
    %dma_start3A_820 = tpu.memref_slice %arg12[%dma_start3A_809, %dma_start3A_818, %dma_start3A_819] : memref<2x512x32xf32, #tpu.memory_space<vmem>> -> memref<1x512x32xf32, #tpu.memory_space<vmem>>
    %dma_start3A_821 = tpu.memref_squeeze %dma_start3A_820 : memref<1x512x32xf32, #tpu.memory_space<vmem>> -> memref<512x32xf32, #tpu.memory_space<vmem>>
    tpu.enqueue_dma source(%dma_start3A_821 : memref<512x32xf32, #tpu.memory_space<vmem>>) target(%dma_start3A_817 : memref<512x32xf32, #tpu.memory_space<hbm>>) target_semaphore(%arg17 : memref<!tpu.dma_semaphore, #tpu.memory_space<semaphore_mem>>)
    %dma_start3A_822 = arith.constant 1 : i32
    %dma_start3A_823 = arith.constant 0 : i32
    %dma_start3A_824 = arith.constant 0 : i32
    %dma_start3A_825 = tpu.memref_slice %arg12[%dma_start3A_822, %dma_start3A_823, %dma_start3A_824] : memref<2x512x32xf32, #tpu.memory_space<vmem>> -> memref<1x512x32xf32, #tpu.memory_space<vmem>>
    %dma_start3A_826 = tpu.memref_squeeze %dma_start3A_825 : memref<1x512x32xf32, #tpu.memory_space<vmem>> -> memref<512x32xf32, #tpu.memory_space<vmem>>
    %dma_start3A_827 = arith.constant 32 : i32
    %dma_start3A_828 = tpu.memref_slice %arg10[%mul3A_2, %dma_start3A_827] : memref<16384x129xf32, #tpu.memory_space<hbm>> -> memref<512x32xf32, #tpu.memory_space<hbm>>
    %dma_start3A_829 = arith.constant 32 : i32
    %dma_start3A_830 = tpu.memref_slice %arg10[%mul3A_2, %dma_start3A_829] : memref<16384x129xf32, #tpu.memory_space<hbm>> -> memref<512x32xf32, #tpu.memory_space<hbm>>
    %dma_start3A_831 = arith.constant 0 : i32
    %dma_start3A_832 = arith.constant 0 : i32
    %dma_start3A_833 = tpu.memref_slice %arg12[%dma_start3A_822, %dma_start3A_831, %dma_start3A_832] : memref<2x512x32xf32, #tpu.memory_space<vmem>> -> memref<1x512x32xf32, #tpu.memory_space<vmem>>
    %dma_start3A_834 = tpu.memref_squeeze %dma_start3A_833 : memref<1x512x32xf32, #tpu.memory_space<vmem>> -> memref<512x32xf32, #tpu.memory_space<vmem>>
    tpu.enqueue_dma source(%dma_start3A_834 : memref<512x32xf32, #tpu.memory_space<vmem>>) target(%dma_start3A_830 : memref<512x32xf32, #tpu.memory_space<hbm>>) target_semaphore(%arg17 : memref<!tpu.dma_semaphore, #tpu.memory_space<semaphore_mem>>)
    %dma_start3A_835 = arith.constant 64 : i32
    %dma_start3A_836 = tpu.memref_slice %arg10[%mul3A_2, %dma_start3A_835] : memref<16384x129xf32, #tpu.memory_space<hbm>> -> memref<512x64xf32, #tpu.memory_space<hbm>>
    %dma_start3A_837 = arith.constant 64 : i32
    %dma_start3A_838 = tpu.memref_slice %arg10[%mul3A_2, %dma_start3A_837] : memref<16384x129xf32, #tpu.memory_space<hbm>> -> memref<512x64xf32, #tpu.memory_space<hbm>>
    tpu.enqueue_dma source(%arg13 : memref<512x64xf32, #tpu.memory_space<vmem>>) target(%dma_start3A_838 : memref<512x64xf32, #tpu.memory_space<hbm>>) target_semaphore(%arg17 : memref<!tpu.dma_semaphore, #tpu.memory_space<semaphore_mem>>)
    %dma_start3A_839 = arith.constant 128 : i32
    %dma_start3A_840 = tpu.memref_slice %arg10[%mul3A_2, %dma_start3A_839] : memref<16384x129xf32, #tpu.memory_space<hbm>> -> memref<512x1xf32, #tpu.memory_space<hbm>>
    %dma_start3A_841 = arith.constant 128 : i32
    %dma_start3A_842 = tpu.memref_slice %arg10[%mul3A_2, %dma_start3A_841] : memref<16384x129xf32, #tpu.memory_space<hbm>> -> memref<512x1xf32, #tpu.memory_space<hbm>>
    tpu.enqueue_dma source(%arg14 : memref<512x1xf32, #tpu.memory_space<vmem>>) target(%dma_start3A_842 : memref<512x1xf32, #tpu.memory_space<hbm>>) target_semaphore(%arg17 : memref<!tpu.dma_semaphore, #tpu.memory_space<semaphore_mem>>)
    %dma_wait3A_843 = arith.constant 0 : i32
    %dma_wait3A_844 = arith.constant 0 : i32
    %dma_wait3A_845 = arith.constant 0 : i32
    %dma_wait3A_846 = tpu.memref_slice %arg12[%dma_wait3A_843, %dma_wait3A_844, %dma_wait3A_845] : memref<2x512x32xf32, #tpu.memory_space<vmem>> -> memref<1x512x32xf32, #tpu.memory_space<vmem>>
    %dma_wait3A_847 = tpu.memref_squeeze %dma_wait3A_846 : memref<1x512x32xf32, #tpu.memory_space<vmem>> -> memref<512x32xf32, #tpu.memory_space<vmem>>
    %dma_wait3A_848 = arith.constant 0 : i32
    %dma_wait3A_849 = tpu.memref_slice %arg10[%mul3A_2, %dma_wait3A_848] : memref<16384x129xf32, #tpu.memory_space<hbm>> -> memref<512x32xf32, #tpu.memory_space<hbm>>
    %dma_wait3A_850 = arith.constant 0 : i32
    %dma_wait3A_851 = tpu.memref_slice %arg10[%mul3A_2, %dma_wait3A_850] : memref<16384x129xf32, #tpu.memory_space<hbm>> -> memref<512x32xf32, #tpu.memory_space<hbm>>
    %dma_wait3A_852 = arith.constant 0 : i32
    %dma_wait3A_853 = arith.constant 0 : i32
    %dma_wait3A_854 = tpu.memref_slice %arg12[%dma_wait3A_843, %dma_wait3A_852, %dma_wait3A_853] : memref<2x512x32xf32, #tpu.memory_space<vmem>> -> memref<1x512x32xf32, #tpu.memory_space<vmem>>
    %dma_wait3A_855 = tpu.memref_squeeze %dma_wait3A_854 : memref<1x512x32xf32, #tpu.memory_space<vmem>> -> memref<512x32xf32, #tpu.memory_space<vmem>>
    tpu.wait_dma2 semaphore(%arg17 : memref<!tpu.dma_semaphore, #tpu.memory_space<semaphore_mem>>) src(%dma_wait3A_855 : memref<512x32xf32, #tpu.memory_space<vmem>>) dst(%dma_wait3A_851 : memref<512x32xf32, #tpu.memory_space<hbm>>)
    %dma_wait3A_856 = arith.constant 1 : i32
    %dma_wait3A_857 = arith.constant 0 : i32
    %dma_wait3A_858 = arith.constant 0 : i32
    %dma_wait3A_859 = tpu.memref_slice %arg12[%dma_wait3A_856, %dma_wait3A_857, %dma_wait3A_858] : memref<2x512x32xf32, #tpu.memory_space<vmem>> -> memref<1x512x32xf32, #tpu.memory_space<vmem>>
    %dma_wait3A_860 = tpu.memref_squeeze %dma_wait3A_859 : memref<1x512x32xf32, #tpu.memory_space<vmem>> -> memref<512x32xf32, #tpu.memory_space<vmem>>
    %dma_wait3A_861 = arith.constant 32 : i32
    %dma_wait3A_862 = tpu.memref_slice %arg10[%mul3A_2, %dma_wait3A_861] : memref<16384x129xf32, #tpu.memory_space<hbm>> -> memref<512x32xf32, #tpu.memory_space<hbm>>
    %dma_wait3A_863 = arith.constant 32 : i32
    %dma_wait3A_864 = tpu.memref_slice %arg10[%mul3A_2, %dma_wait3A_863] : memref<16384x129xf32, #tpu.memory_space<hbm>> -> memref<512x32xf32, #tpu.memory_space<hbm>>
    %dma_wait3A_865 = arith.constant 0 : i32
    %dma_wait3A_866 = arith.constant 0 : i32
    %dma_wait3A_867 = tpu.memref_slice %arg12[%dma_wait3A_856, %dma_wait3A_865, %dma_wait3A_866] : memref<2x512x32xf32, #tpu.memory_space<vmem>> -> memref<1x512x32xf32, #tpu.memory_space<vmem>>
    %dma_wait3A_868 = tpu.memref_squeeze %dma_wait3A_867 : memref<1x512x32xf32, #tpu.memory_space<vmem>> -> memref<512x32xf32, #tpu.memory_space<vmem>>
    tpu.wait_dma2 semaphore(%arg17 : memref<!tpu.dma_semaphore, #tpu.memory_space<semaphore_mem>>) src(%dma_wait3A_868 : memref<512x32xf32, #tpu.memory_space<vmem>>) dst(%dma_wait3A_864 : memref<512x32xf32, #tpu.memory_space<hbm>>)
    %dma_wait3A_869 = arith.constant 64 : i32
    %dma_wait3A_870 = tpu.memref_slice %arg10[%mul3A_2, %dma_wait3A_869] : memref<16384x129xf32, #tpu.memory_space<hbm>> -> memref<512x64xf32, #tpu.memory_space<hbm>>
    %dma_wait3A_871 = arith.constant 64 : i32
    %dma_wait3A_872 = tpu.memref_slice %arg10[%mul3A_2, %dma_wait3A_871] : memref<16384x129xf32, #tpu.memory_space<hbm>> -> memref<512x64xf32, #tpu.memory_space<hbm>>
    tpu.wait_dma2 semaphore(%arg17 : memref<!tpu.dma_semaphore, #tpu.memory_space<semaphore_mem>>) src(%arg13 : memref<512x64xf32, #tpu.memory_space<vmem>>) dst(%dma_wait3A_872 : memref<512x64xf32, #tpu.memory_space<hbm>>)
    %dma_wait3A_873 = arith.constant 128 : i32
    %dma_wait3A_874 = tpu.memref_slice %arg10[%mul3A_2, %dma_wait3A_873] : memref<16384x129xf32, #tpu.memory_space<hbm>> -> memref<512x1xf32, #tpu.memory_space<hbm>>
    %dma_wait3A_875 = arith.constant 128 : i32
    %dma_wait3A_876 = tpu.memref_slice %arg10[%mul3A_2, %dma_wait3A_875] : memref<16384x129xf32, #tpu.memory_space<hbm>> -> memref<512x1xf32, #tpu.memory_space<hbm>>
    tpu.wait_dma2 semaphore(%arg17 : memref<!tpu.dma_semaphore, #tpu.memory_space<semaphore_mem>>) src(%arg14 : memref<512x1xf32, #tpu.memory_space<vmem>>) dst(%dma_wait3A_876 : memref<512x1xf32, #tpu.memory_space<hbm>>)
    return
  }
}

</mosaic_0001>

<sc_bundles>
// kernel: _run.3.cloned.1.call-start
scs
__scs_entry_jumppad:
0x0: {  	(pc) =	sbr.rel $0x88, $3  }
0x1: {  	(tag) =	ssettag $0x0;
	lr =	simm.s32 $0x1  }
0x2: {  	[smem:$0x3F99] =	sst lr;
	_ =	strace $0xD0000000  }
0x3: {  	_ = 	snop  }
0x4: {  	_ = 	snop  }
0x5: {  	_ = 	snop  }
0x6: {  	_ = 	snop  }
0x7: {  	_ = 	snop  }
__scs_overlays_trampoline_lowered:
0x8: {  	[smem:$0x3FA8] =	sst s0  }
0x9: {  	[smem:$0x3FA9] =	sst s1  }
0xa: {  	[smem:$0x3FAA] =	sst s2  }
0xb: {  	[smem:$0x3FAB] =	sst s3  }
0xc: {  	[smem:$0x3FAC] =	sst s4  }
0xd: {  	[smem:$0x3FAD] =	sst s5  }
0xe: {  	[smem:$0x3FAE] =	sst s6  }
0xf: {  	[smem:$0x3FAF] =	sst s7  }
0x10: {  	[smem:$0x3FB0] =	sst s8  }
0x11: {  	[smem:$0x3FB1] =	sst s9;
	s0 =	simm.s32 @!p0 $0x0  }
0x12: {  	s1 =	sld [smem:$0x3F97];
	s0 =	simm.s32 @p0 $0x1  }
0x13: {  	[smem:$0x3FB2] =	sst s0;
	s0 =	simm.s32 @!p1 $0x0  }
0x14: {  	s2 =	sld [smem:$0x3F96];
	s0 =	simm.s32 @p1 $0x1  }
0x15: {  	[smem:$0x3FB3] =	sst s0;
	s0 =	simm.s32 @!p2 $0x0  }
0x16: {  	s3 =	sld [smem:$0x3FDB];
	s0 =	simm.s32 @p2 $0x1  }
0x17: {  	s4 =	simm.s32 $0x1BF5;
	[smem:$0x3FB5] =	sst s0  }
0x18: {  	s0 =	sld [smem:$0x3F98];
	_ =	swait.ge [sflag:s4], $0x0  }
0x19: {  	s7 =	sld [smem:$0x3F99]  }
0x1a: {  	s8 =	sadd.s32 $0xFFFFE003, lr  }
0x1b: {  	s9 =	sadd.s32 $0xFFFFFEF7, lr;
	s5 =	simm.s32 $0xFFFFFFFF;
	p2 =	slt.u32 s8, $0xFFFFF086  }
0x1c: {  	p1 =	slt.u32 s9, $0xF7A;
	s5 =	simm.s32 @!p2 $0x0  }
0x1d: {  	s5 =	simm.s32 @p1 $0x1;
	p0 =	seq.s32 s7, s2  }
0x1e: {  	s7 =	smul.u32 @!p0 $0xF7A, s2;
	p2 =	seq.s32 @!p0 s5, $0x0  }
0x1f: {  	s9 =	smul.u32 $0xF7A, s1;
	s8 =	simm.s32 @!p0 $0x1BF5;
	p2 =	por !p2, p0  }
0x20: {  	[sflag:s8] =	ssyncset.s32 @!p0 $0xFFFFF086;
	s6 =	sadd.s32 @!p0 s3, s7;
	s7 =	simm.s32 @!p0 $0x108  }
0x21: {  	s3 =	sadd.s32 s3, s9;
	s6 =	sadd.s32 @!p0 $0x88, s6;
	s7 =	simm.s32 @p2 $0x1082  }
0x22: {  	[simem:s7], [sflag:s8] =	dma.local @!p0 [hbm:s6], $0xF7A  }
0x23: {  	s9 =	sor.u32 $0xD0000000, s2;
	s6 =	simm.s32 $0x108;
	_ =	swait.ge @!p0 [sflag:s8], $0x0  }
0x24: {  	s3 =	sadd.s32 $0x88, s3;
	s6 =	simm.s32 @!p1 $0x1082;
	[sflag:s4] =	ssyncset.s32 $0xFFFFF086  }
0x25: {  	[simem:s6], [sflag:s4] =	dma.local [hbm:s3], $0xF7A  }
0x26: {  	[smem:$0x3F99] =	sst s1;
	(tag) =	ssettag s2;
	_ =	strace s9  }
0x27: {  	s1 =	sld [smem:$0x3FA9]  }
0x28: {  	s2 =	sld [smem:$0x3FAA]  }
0x29: {  	s4 =	sld [smem:$0x3FAC]  }
0x2a: {  	p0 =	seq.s32 s5, $0x0;
	s5 =	sld [smem:$0x3FAD]  }
0x2b: {  	s6 =	sld [smem:$0x3FAE]  }
0x2c: {  	s7 =	sld [smem:$0x3FAF]  }
0x2d: {  	s3 =	simm.s32 $0x108;
	s8 =	sld [smem:$0x3FB0]  }
0x2e: {  	s3 =	simm.s32 @!p0 $0x1082;
	s9 =	sld [smem:$0x3FB1]  }
0x2f: {  	lr =	sadd.s32 s0, s3;
	s0 =	sld [smem:$0x3FA8]  }
0x30: {  	s3 =	sld [smem:$0x3FAB]  }
0x31: {  	[smem:$0x3FB4] =	sst s10  }
0x32: {  	s10 =	sld [smem:$0x3FB2];
	_ =	sdelay $0x3  }
0x33: {  	p0 =	seq.s32 s10, $0x1;
	s10 =	sld [smem:$0x3FB4];
	_ =	sdelay $0x3  }
0x34: {  	[smem:$0x3FB4] =	sst s10  }
0x35: {  	s10 =	sld [smem:$0x3FB3];
	_ =	sdelay $0x3  }
0x36: {  	p1 =	seq.s32 s10, $0x1;
	s10 =	sld [smem:$0x3FB4];
	_ =	sdelay $0x3  }
0x37: {  	[smem:$0x3FB4] =	sst s10  }
0x38: {  	s10 =	sld [smem:$0x3FB5]  }
0x39: {  	_ = 	snop;
	(pc) =	sbr.ind lr, $3  }
0x3a: {  	_ = 	snop  }
0x3b: {  	_ = 	snop  }
0x3c: {  	p2 =	seq.s32 s10, $0x1;
	s10 =	sld [smem:$0x3FB4]  }
0x3d: {  	_ =	shalt  }
0x3e: {  	_ =	shalt  }
0x3f: {  	_ =	shalt  }
0x40: {  	_ =	shalt  }
0x41: {  	_ =	shalt  }
0x42: {  	_ =	shalt  }
0x43: {  	_ =	shalt  }
0x44: {  	_ =	shalt  }
0x45: {  	_ =	shalt  }
0x46: {  	_ =	shalt  }
0x47: {  	_ =	shalt  }
0x48: {  	_ =	shalt  }
0x49: {  	_ =	shalt  }
0x4a: {  	_ =	shalt  }
0x4b: {  	_ =	shalt  }
0x4c: {  	_ =	shalt  }
0x4d: {  	_ =	shalt  }
0x4e: {  	_ =	shalt  }
0x4f: {  	_ =	shalt  }
0x50: {  	_ =	shalt  }
0x51: {  	_ =	shalt  }
0x52: {  	_ =	shalt  }
0x53: {  	_ =	shalt  }
0x54: {  	_ =	shalt  }
0x55: {  	_ =	shalt  }
0x56: {  	_ =	shalt  }
0x57: {  	_ =	shalt  }
0x58: {  	_ =	shalt  }
0x59: {  	_ =	shalt  }
0x5a: {  	_ =	shalt  }
0x5b: {  	_ =	shalt  }
0x5c: {  	_ =	shalt  }
0x5d: {  	_ =	shalt  }
0x5e: {  	_ =	shalt  }
0x5f: {  	_ =	shalt  }
0x60: {  	_ =	shalt  }
0x61: {  	_ =	shalt  }
0x62: {  	_ =	shalt  }
0x63: {  	_ =	shalt  }
0x64: {  	_ =	shalt  }
0x65: {  	_ =	shalt  }
0x66: {  	_ =	shalt  }
0x67: {  	_ =	shalt  }
0x68: {  	_ =	shalt  }
0x69: {  	_ =	shalt  }
0x6a: {  	_ =	shalt  }
0x6b: {  	_ =	shalt  }
0x6c: {  	_ =	shalt  }
0x6d: {  	_ =	shalt  }
0x6e: {  	_ =	shalt  }
0x6f: {  	_ =	shalt  }
0x70: {  	_ =	shalt  }
0x71: {  	_ =	shalt  }
0x72: {  	_ =	shalt  }
0x73: {  	_ =	shalt  }
0x74: {  	_ =	shalt  }
0x75: {  	_ =	shalt  }
0x76: {  	_ =	shalt  }
0x77: {  	_ =	shalt  }
0x78: {  	_ =	shalt  }
0x79: {  	_ =	shalt  }
0x7a: {  	_ =	shalt  }
0x7b: {  	_ =	shalt  }
0x7c: {  	_ =	shalt  }
0x7d: {  	_ =	shalt  }
0x7e: {  	_ =	shalt  }
0x7f: {  	_ =	shalt  }
0x80: {  	_ =	shalt  }
0x81: {  	_ =	shalt  }
0x82: {  	_ =	shalt  }
0x83: {  	_ =	shalt  }
0x84: {  	_ =	shalt  }
0x85: {  	_ =	shalt  }
0x86: {  	_ =	shalt  }
0x87: {  	_ =	shalt  }
.Lfunc_end0:
.L_simem_size_0:
called_computation_lowered:
.L_overlay_start_0:
0x88: {  	s2 =	sld [smem:$0x3FD9]  }
0x89: {  	s3 =	sld [smem:$0x3FFE];
	_ =	sdelay $0x1  }
0x8a: {  	s1 =	srdreg.scid  }
0x8b: {  	s0 =	sand.u32 $0x1, s1  }
0x8c: {  	s17 =	sshll.u32 s0, $0xA;
	s2 =	sadd.s32 s3, s2  }
0x8d: {  	s2 =	sadd.s32 s2, s17  }
0x8e: {  	[smem:$0x3FC0] =	sst s2  }
0x8f: {  	_ = 	snop  }
0x90: {  	s2 =	sld [smem:$0x3FC9]  }
0x91: {  	s18 =	sld [smem:$0x3FC8]  }
0x92: {  	s4 =	sld [smem:$0x3FC7]  }
0x93: {  	s5 =	sld [smem:$0x3FC6]  }
0x94: {  	s6 =	sld [smem:$0x3FC5]  }
0x95: {  	s7 =	sld [smem:$0x3FD0];
	(tm) =	ssettm $0x1  }
0x96: {  	s8 =	sld [smem:$0x3FFB];
	_ =	sdelay $0x3  }
0x97: {  	_ =	strace s8  }
0x98: {  	s8 =	sld [smem:$0x3FFC];
	_ =	sdelay $0x3  }
0x99: {  	_ =	strace s8  }
0x9a: {  	s8 =	sld [smem:$0x3FFD];
	_ =	sdelay $0x3  }
0x9b: {  	_ =	strace s8  }
0x9c: {  	_ =	strace $0x8FFFFFFF  }
0x9d: {  	s19 =	sld [smem:$0x3FDB];
	_ =	sdelay $0x1  }
0x9e: {  	s9 =	simm.s32 $_scs_section_size  }
0x9f: {  	s10 =	simm.s32 $_size__tile_overlayer_lowered;
	s11 =	simm.s32 $_tile_overlayer_lowered  }
0xa0: {  	s22 =	simm.s32 $0x1BFF;
	s21 =	sshll.u32 s11, $0x1;
	s8 =	sadd.s32 s9, s19  }
0xa1: {  	s12 =	simm.s32 $0x0;
	s20 =	sshll.u32 s10, $0x1;
	s10 =	sadd.s32 s21, s8  }
0xa2: {  	[timem:s12], [sflag:s22] =	dma.local [hbm:s10], s20  }
0xa3: {  	_ =	swait.ge [sflag:s22], s20  }
0xa4: {  	s9 =	ssub.s32 $0x0, s20;
	[sflag:s22] =	ssyncset.done $0x0  }
0xa5: {  	[sflag:s22] =	ssyncadd.s32 s9;
	_ =	sdelay $0x1  }
0xa6: {  	s23 =	simm.s32 $0x1B8B  }
0xa7: {  	_ =	swait.ge [sflag:s23], $0x1  }
0xa8: {  	[sflag:s23] =	ssyncset.done $0x0  }
0xa9: {  	s25 =	simm.s32 $0x1B8E;
	s24 =	sld [smem:$0x3FFE];
	[sflag:s23] =	ssyncadd.s32 $0xFFFFFFFF  }
0xaa: {  	s26 =	simm.s32 $execute0_lowered;
	[smem:$0x3FD2] =	sst s25  }
0xab: {  	s10 =	sshll.u32 s26, $0x1;
	_ =	strace $0x80000046;
	[dreg:$0x1] =	wrdreg $0xFFFFFFFF  }
0xac: {  	s28 =	simm.s32 $_size_execute0_lowered;
	s8 =	sadd.s32 s8, s10;
	[dreg:$0x0] =	wrdreg $0x0  }
0xad: {  	s10 =	sshll.u32 s28, $0x1;
	[dreg:$0x2] =	wrdreg s8  }
0xae: {  	[dreg:$0x3] =	wrdreg s10  }
0xaf: {  	[dreg:$0x4] =	wrdreg $0xC0  }
0xb0: {  	_ =	task [dreg:s12], $0x5FFFF  }
0xb1: {  	[dreg:$0x1] =	wrdreg $0xFFFFFFFF  }
0xb2: {  	[dreg:$0x0] =	wrdreg $0x60  }
0xb3: {  	[dreg:$0x2] =	wrdreg s2  }
0xb4: {  	[dreg:$0x3] =	wrdreg s18  }
0xb5: {  	[dreg:$0x4] =	wrdreg s4  }
0xb6: {  	[dreg:$0x5] =	wrdreg s5  }
0xb7: {  	[dreg:$0x6] =	wrdreg s6  }
0xb8: {  	[dreg:$0x7] =	wrdreg s24  }
0xb9: {  	[dreg:$0x8] =	wrdreg s7  }
0xba: {  	[dreg:$0x9] =	wrdreg $0x9  }
0xbb: {  	_ =	task.clear_ibuf [dreg:s12], $0xAFFFF;
	_ =	strace $0x90000046  }
0xbc: {  	s29 =	simm.s32 $0x9;
	_ =	strace $0x80000048  }
0xbd: {  	_ =	swait.ge [sflag:s29], $0x1  }
0xbe: {  	[sflag:s29] =	ssyncadd.s32 $0xFFFFFFFF  }
0xbf: {  	_ =	strace $0x90000048  }
0xc0: {  	_ =	sfence  }
0xc1: {  	s30 =	sld [smem:$0x0];
	_ =	sdelay $0x2  }
0xc2: {  	s31 =	sshll.u32 s1, $0xD;
	s1 =	sshrl.u32 s1, $0x2  }
0xc3: {  	s3 =	sand.u32 $0x4000, s31;
	s1 =	sadd.s32 s1, s30  }
0xc4: {  	s0 =	sor.u32 s3, s0;
	s1 =	sshll.u32 s1, $0x11  }
0xc5: {  	s0 =	sor.u32 s1, s0  }
0xc6: {  	s0 =	sadd.s32 $0x8F2B, s0  }
0xc7: {  	[sflag:s0] =	ssyncadd.remote.s32 $0x1  }
0xc8: {  	_ =	sfence.sel $0xFFFF  }
0xc9: {  	[dreg:$0x0] =	wrdreg $0xFFFFFFFF;
	(pc) =	sbr.abs _section_cstart, $3  }
0xca: {  	[dreg:$0x1] =	wrdreg $0xFFFFFFFF  }
0xcb: {  	_ =	task.clear_ibuf [dreg:s12], $0x2FFFF;
	_ =	strace $0x9FFFFFFF  }
0xcc: {  	(tm) =	ssettm $0x7FFFFFFF  }
0xcd: {  	_ =	shalt  }
tec
execute0_lowered:
.L_overlay_start_1:
0x0: {  	(tag) =	ssettag $0x1  }
0x1: {  	s1 =	rddreg [dreg:$0x0]  }
0x2: {  	s3 =	rddreg [dreg:$0x1]  }
0x3: {  	s4 =	rddreg [dreg:$0x2]  }
0x4: {  	s0 =	rddreg [dreg:$0x3]  }
0x5: {  	s10 =	rddreg [dreg:$0x4]  }
0x6: {  	s6 =	rddreg [dreg:$0x5];
	s2 =	srdreg.scid  }
0x7: {  	s11 =	stileid.u32;
	s5 =	rddreg [dreg:$0x6]  }
0x8: {  	s17 =	simm.s32 $0x1600;
	s18 =	simm.s32 $0x100;
	[dreg:$0x8] =	wrdreg s0  }
0x9: {  	[dreg:$0x9] =	wrdreg s10;
	s7 =	sand.u32 $0x1, s2;
	s2 =	simm.s32 $0x0  }
0xa: {  	s20 =	simm.s32 $0x2600;
	s21 =	simm.s32 $0x180;
	[smem:$0x7FF] =	sst s2  }
0xb: {  	s22 =	simm.s32 $0x3600;
	_ =	strace $0x80000047;
	[dreg:$0x10] =	wrdreg s17  }
0xc: {  	s23 =	simm.s32 $0x280;
	s24 =	simm.s32 $0x5600;
	[dreg:$0x11] =	wrdreg s18  }
0xd: {  	s25 =	simm.s32 $0x300;
	s26 =	simm.s32 $0x6600;
	[dreg:$0x12] =	wrdreg s20  }
0xe: {  	s28 =	simm.s32 $0x20;
	s29 =	simm.s32 $0x88;
	[dreg:$0x13] =	wrdreg s21  }
0xf: {  	s30 =	simm.s32 $0x40;
	s31 =	simm.s32 $0x8;
	[dreg:$0x14] =	wrdreg s22  }
0x10: {  	s8 =	sshll.u32 s11, $0x1;
	s10 =	simm.s32 $0x400;
	[dreg:$0x15] =	wrdreg s23  }
0x11: {  	v0 =	vlaneseq.u32;
	s11 =	simm.s32 $0x80;
	s8 =	sor.u32 s7, s8;
	[dreg:$0x16] =	wrdreg s24  }
0x12: {  	v0 =	vmul.u32 $0x8, v0;
	s7 =	ssub.s32 $0x2, s7;
	s9 =	sshll.u32 s8, $0x6;
	[dreg:$0x17] =	wrdreg s25  }
0x13: {  	s8 =	smul.u32 $0x2200, s8;
	s19 =	sshrl.u32 s7, $0x1;
	[dreg:$0x18] =	wrdreg s26  }
0x14: {  	v1 =	vor.u32 $0x80, v0;
	s18 =	simm.s32 $0xA600;
	s20 =	simm.s32 $0xC600;
	s21 =	simm.s32 $0x580  }
0x15: {  	v2 =	vor.u32 $0x100, v0;
	v3 =	vor.u32 $0x180, v0;
	v4 =	vor.u32 $0x200, v0;
	s22 =	simm.s32 $0xE600;
	s23 =	simm.s32 $0x11600;
	s24 =	simm.s32 $0x11610  }
0x16: {  	v5 =	vor.u32 $0x280, v0;
	v6 =	vor.u32 $0x300, v0;
	v7 =	vor.u32 $0x380, v0;
	s25 =	simm.s32 $0x10600;
	s26 =	simm.s32 $0x1;
	s1 =	sadd.s32 s1, s9  }
0x17: {  	v8 =	vor.u32 $0x400, v0;
	v9 =	vor.u32 $0x480, v0;
	v10 =	vor.u32 $0x500, v0;
	s12 =	sadd.s32 s3, s9;
	s13 =	sadd.s32 s4, s9;
	s4 =	sadd.s32 $0xF42E00, s6  }
0x18: {  	v11 =	vor.u32 $0x580, v0;
	v12 =	vor.u32 $0x600, v0;
	v13 =	vor.u32 $0x680, v0;
	s7 =	ssub.s32 s7, s19;
	s9 =	simm.s32 $0x200;
	[dreg:$0xa] =	wrdreg s1  }
0x19: {  	v14 =	vor.u32 $0x700, v0;
	v15 =	vor.u32 $0x780, v0;
	v16 =	vor.u32 $0x800, v0;
	s19 =	simm.s32 $0x500;
	[dreg:$0xb] =	wrdreg s12;
	s3 =	sadd.s32 s5, s8  }
0x1a: {  	v17 =	vor.u32 $0x880, v0;
	v18 =	vor.u32 $0x900, v0;
	v19 =	vor.u32 $0x980, v0;
	[dreg:$0xc] =	wrdreg s13;
	s5 =	sadd.s32 $0x187400, s6;
	s6 =	sadd.s32 $0x800, s6  }
0x1b: {  	v20 =	vor.u32 $0xA00, v0;
	v21 =	vor.u32 $0xA80, v0;
	v22 =	vor.u32 $0xB00, v0;
	s7 =	smax.u32 s7, $0x1;
	s8 =	simm.s32 $0x3;
	s14 =	sadd.s32 $0x4, s3  }
0x1c: {  	v23 =	vor.u32 $0xB80, v0;
	v24 =	vor.u32 $0xC00, v0;
	v25 =	vor.u32 $0xC80, v0;
	s12 =	simm.s32 $0x600;
	s15 =	sadd.s32 $0x8, s3;
	[dreg:$0xd] =	wrdreg s14  }
0x1d: {  	v26 =	vor.u32 $0xD00, v0;
	v27 =	vor.u32 $0xD80, v0;
	v28 =	vor.u32 $0xE00, v0;
	s13 =	simm.s32 $0x4600;
	s16 =	sadd.s32 $0x10, s3;
	[dreg:$0xe] =	wrdreg s15  }
0x1e: {  	v29 =	vor.u32 $0xE80, v0;
	v30 =	vor.u32 $0xF00, v0;
	v31 =	vor.u32 $0xF80, v0;
	s1 =	simm.s32 $0x2;
	[dreg:$0xf] =	wrdreg s16;
	s16 =	simm.s32 $0x8600  }
.LBB2_1:
0x1f: {  	s0 =	rddreg [dreg:$0xa]  }
0x20: {  	[tilespmem:s2], [sflag:$0x3] =	stream.linear.gather [hbm4b:s0+s2], $0x200, $0x38;
	[tilespmem:$0x11620] =	vst v63  }
0x21: {  	_ =	swait.ge [sflag:s8], $0x200  }
0x22: {  	[sflag:s8] =	ssyncset.done $0x0  }
0x23: {  	s15 =	rddreg [dreg:$0xb];
	[sflag:s8] =	ssyncadd.s32 $0xFFFFFE00  }
0x24: {  	[tilespmem:s9], [sflag:$0x3] =	stream.linear.gather [hbm4b:s15+s2], $0x200, $0x38;
	[tilespmem:$0x11620] =	vst v63  }
0x25: {  	_ =	swait.ge [sflag:s8], $0x200  }
0x26: {  	[sflag:s8] =	ssyncset.done $0x0  }
0x27: {  	s17 =	rddreg [dreg:$0xc];
	[sflag:s8] =	ssyncadd.s32 $0xFFFFFE00  }
0x28: {  	[tilespmem:s10], [sflag:$0x3] =	stream.linear.gather [hbm4b:s17+s2], $0x200, $0x38;
	[tilespmem:$0x11620] =	vst v63  }
0x29: {  	_ =	swait.ge [sflag:s8], $0x200  }
0x2a: {  	s14 =	rddreg [dreg:$0x10]  }
0x2b: {  	[sflag:s8] =	ssyncset.done $0x0;
	s0 =	rddreg [dreg:$0x11]  }
0x2c: {  	s15 =	rddreg [dreg:$0x13];
	[sflag:s8] =	ssyncadd.s32 $0xFFFFFE00  }
0x2d: {  	[tilespmem:s12], [sflag:$0x1] =	stream.indirect.gather [hbm4b:s4+s11], $0x20, s2, s11, $0xb8;
	[tilespmem:$0x11620] =	vst v63  }
0x2e: {  	s17 =	rddreg [dreg:$0x14]  }
0x2f: {  	[tilespmem:s14], [sflag:$0x1] =	stream.indirect.gather [hbm4b:s4+s11], $0x20, s11, s11, $0xb8;
	[tilespmem:$0x11620] =	vst v63  }
0x30: {  	s14 =	rddreg [dreg:$0x12]  }
0x31: {  	[tilespmem:s14], [sflag:$0x1] =	stream.indirect.gather [hbm4b:s4+s11], $0x20, s0, s11, $0xb8;
	[tilespmem:$0x11620] =	vst v63  }
0x32: {  	s0 =	rddreg [dreg:$0x15]  }
0x33: {  	[tilespmem:s17], [sflag:$0x1] =	stream.indirect.gather [hbm4b:s4+s11], $0x20, s15, s11, $0xb8;
	[tilespmem:$0x11620] =	vst v63  }
0x34: {  	s14 =	rddreg [dreg:$0x16]  }
0x35: {  	[tilespmem:s13], [sflag:$0x1] =	stream.indirect.gather [hbm4b:s5+s11], $0x20, s9, s11, $0xb8;
	[tilespmem:$0x11620] =	vst v63  }
0x36: {  	s15 =	rddreg [dreg:$0x17]  }
0x37: {  	[tilespmem:s14], [sflag:$0x1] =	stream.indirect.gather [hbm4b:s5+s11], $0x20, s0, s11, $0xb8;
	[tilespmem:$0x11620] =	vst v63  }
0x38: {  	s17 =	rddreg [dreg:$0x18]  }
0x39: {  	[tilespmem:s17], [sflag:$0x1] =	stream.indirect.gather [hbm4b:s5+s11], $0x20, s15, s11, $0xb8;
	[tilespmem:$0x11620] =	vst v63  }
0x3a: {  	s15 =	simm.s32 $0x380;
	s17 =	simm.s32 $0x7600  }
0x3b: {  	[tilespmem:s17], [sflag:$0x1] =	stream.indirect.gather [hbm4b:s5+s11], $0x20, s15, s11, $0xb8;
	[tilespmem:$0x11620] =	vst v63  }
0x3c: {  	_ = 	snop  }
0x3d: {  	[tilespmem:s16], [sflag:$0x1] =	stream.indirect.gather [hbm4b:s6+s11], $0x40, s10, s11, $0xb8;
	[tilespmem:$0x11620] =	vst v63  }
0x3e: {  	s14 =	simm.s32 $0x480  }
0x3f: {  	[tilespmem:s18], [sflag:$0x1] =	stream.indirect.gather [hbm4b:s6+s11], $0x40, s14, s11, $0xb8;
	[tilespmem:$0x11620] =	vst v63  }
0x40: {  	_ = 	snop  }
0x41: {  	[tilespmem:s20], [sflag:$0x1] =	stream.indirect.gather [hbm4b:s6+s11], $0x40, s19, s11, $0xb8;
	[tilespmem:$0x11620] =	vst v63  }
0x42: {  	_ = 	snop  }
0x43: {  	[tilespmem:s22], [sflag:$0x1] =	stream.indirect.gather [hbm4b:s6+s11], $0x40, s21, s11, $0xb8;
	[tilespmem:$0x11620] =	vst v63  }
0x44: {  	s15 =	rddreg [dreg:$0x8]  }
0x45: {  	[tilespmem:s23], [sflag:$0x3] =	stream.linear.gather [hbm4b:s15+s2], $0x10, $0x38;
	[tilespmem:$0x11620] =	vst v63  }
0x46: {  	_ =	swait.ge [sflag:s8], $0x10  }
0x47: {  	[sflag:s8] =	ssyncset.done $0x0  }
0x48: {  	s17 =	rddreg [dreg:$0x9];
	[sflag:s8] =	ssyncadd.s32 $0xFFFFFFF0  }
0x49: {  	[tilespmem:s24], [sflag:$0x3] =	stream.linear.gather [hbm4b:s17+s2], $0x10, $0x38;
	[tilespmem:$0x11620] =	vst v63  }
0x4a: {  	_ =	swait.ge [sflag:s8], $0x10  }
0x4b: {  	[sflag:s8] =	ssyncset.done $0x0  }
0x4c: {  	[sflag:s8] =	ssyncadd.s32 $0xFFFFFFF0  }
0x4d: {  	v34 =	vld [tilespmem:$0x400];
	_ =	sdelay $0x2  }
0x4e: {  	v32 =	vld [tilespmem:$0x11600];
	_ =	sdelay $0x1  }
0x4f: {  	v33 =	vld [tilespmem:$0x11610];
	v34 =	vand.u32 $0x7, v34  }
0x50: {  	v34 =	vcvt.s32.f32 v34;
	_ =	sdelay $0x1  }
0x51: {  	v34 =	vsub.f32 v34, v32;
	_ =	sdelay $0x1  }
0x52: {  	v34 =	vmul.f32 v34, v33;
	_ =	sdelay $0x1  }
0x53: {  	[tilespmem:v0+s25+$0x0] =	vst.idx.msk $0xffff, v34  }
0x54: {  	v34 =	vld [tilespmem:$0x410];
	_ =	sdelay $0x4  }
0x55: {  	v34 =	vand.u32 $0x7, v34  }
0x56: {  	v34 =	vcvt.s32.f32 v34;
	_ =	sdelay $0x1  }
0x57: {  	v34 =	vsub.f32 v34, v32;
	_ =	sdelay $0x1  }
0x58: {  	v34 =	vmul.f32 v34, v33;
	_ =	sdelay $0x1  }
0x59: {  	[tilespmem:v1+s25+$0x0] =	vst.idx.msk $0xffff, v34  }
0x5a: {  	v34 =	vld [tilespmem:$0x420];
	_ =	sdelay $0x4  }
0x5b: {  	v34 =	vand.u32 $0x7, v34  }
0x5c: {  	v34 =	vcvt.s32.f32 v34;
	_ =	sdelay $0x1  }
0x5d: {  	v34 =	vsub.f32 v34, v32;
	_ =	sdelay $0x1  }
0x5e: {  	v34 =	vmul.f32 v34, v33;
	_ =	sdelay $0x1  }
0x5f: {  	[tilespmem:v2+s25+$0x0] =	vst.idx.msk $0xffff, v34  }
0x60: {  	v34 =	vld [tilespmem:$0x430];
	_ =	sdelay $0x4  }
0x61: {  	v34 =	vand.u32 $0x7, v34  }
0x62: {  	v34 =	vcvt.s32.f32 v34;
	_ =	sdelay $0x1  }
0x63: {  	v34 =	vsub.f32 v34, v32;
	_ =	sdelay $0x1  }
0x64: {  	v34 =	vmul.f32 v34, v33;
	_ =	sdelay $0x1  }
0x65: {  	[tilespmem:v3+s25+$0x0] =	vst.idx.msk $0xffff, v34  }
0x66: {  	v34 =	vld [tilespmem:$0x440];
	_ =	sdelay $0x4  }
0x67: {  	v34 =	vand.u32 $0x7, v34  }
0x68: {  	v34 =	vcvt.s32.f32 v34;
	_ =	sdelay $0x1  }
0x69: {  	v34 =	vsub.f32 v34, v32;
	_ =	sdelay $0x1  }
0x6a: {  	v34 =	vmul.f32 v34, v33;
	_ =	sdelay $0x1  }
0x6b: {  	[tilespmem:v4+s25+$0x0] =	vst.idx.msk $0xffff, v34  }
0x6c: {  	v34 =	vld [tilespmem:$0x450];
	_ =	sdelay $0x4  }
0x6d: {  	v34 =	vand.u32 $0x7, v34  }
0x6e: {  	v34 =	vcvt.s32.f32 v34;
	_ =	sdelay $0x1  }
0x6f: {  	v34 =	vsub.f32 v34, v32;
	_ =	sdelay $0x1  }
0x70: {  	v34 =	vmul.f32 v34, v33;
	_ =	sdelay $0x1  }
0x71: {  	[tilespmem:v5+s25+$0x0] =	vst.idx.msk $0xffff, v34  }
0x72: {  	v34 =	vld [tilespmem:$0x460];
	_ =	sdelay $0x4  }
0x73: {  	v34 =	vand.u32 $0x7, v34  }
0x74: {  	v34 =	vcvt.s32.f32 v34;
	_ =	sdelay $0x1  }
0x75: {  	v34 =	vsub.f32 v34, v32;
	_ =	sdelay $0x1  }
0x76: {  	v34 =	vmul.f32 v34, v33;
	_ =	sdelay $0x1  }
0x77: {  	[tilespmem:v6+s25+$0x0] =	vst.idx.msk $0xffff, v34  }
0x78: {  	v34 =	vld [tilespmem:$0x470];
	_ =	sdelay $0x4  }
0x79: {  	v34 =	vand.u32 $0x7, v34  }
0x7a: {  	v34 =	vcvt.s32.f32 v34;
	_ =	sdelay $0x1  }
0x7b: {  	v34 =	vsub.f32 v34, v32;
	_ =	sdelay $0x1  }
0x7c: {  	v34 =	vmul.f32 v34, v33;
	_ =	sdelay $0x1  }
0x7d: {  	[tilespmem:v7+s25+$0x0] =	vst.idx.msk $0xffff, v34  }
0x7e: {  	v34 =	vld [tilespmem:$0x480];
	_ =	sdelay $0x4  }
0x7f: {  	v34 =	vand.u32 $0x7, v34  }
0x80: {  	v34 =	vcvt.s32.f32 v34;
	_ =	sdelay $0x1  }
0x81: {  	v34 =	vsub.f32 v34, v32;
	_ =	sdelay $0x1  }
0x82: {  	v34 =	vmul.f32 v34, v33;
	_ =	sdelay $0x1  }
0x83: {  	[tilespmem:v8+s25+$0x0] =	vst.idx.msk $0xffff, v34  }
0x84: {  	v34 =	vld [tilespmem:$0x490];
	_ =	sdelay $0x4  }
0x85: {  	v34 =	vand.u32 $0x7, v34  }
0x86: {  	v34 =	vcvt.s32.f32 v34;
	_ =	sdelay $0x1  }
0x87: {  	v34 =	vsub.f32 v34, v32;
	_ =	sdelay $0x1  }
0x88: {  	v34 =	vmul.f32 v34, v33;
	_ =	sdelay $0x1  }
0x89: {  	[tilespmem:v9+s25+$0x0] =	vst.idx.msk $0xffff, v34  }
0x8a: {  	v34 =	vld [tilespmem:$0x4A0];
	_ =	sdelay $0x4  }
0x8b: {  	v34 =	vand.u32 $0x7, v34  }
0x8c: {  	v34 =	vcvt.s32.f32 v34;
	_ =	sdelay $0x1  }
0x8d: {  	v34 =	vsub.f32 v34, v32;
	_ =	sdelay $0x1  }
0x8e: {  	v34 =	vmul.f32 v34, v33;
	_ =	sdelay $0x1  }
0x8f: {  	[tilespmem:v10+s25+$0x0] =	vst.idx.msk $0xffff, v34  }
0x90: {  	v34 =	vld [tilespmem:$0x4B0];
	_ =	sdelay $0x4  }
0x91: {  	v34 =	vand.u32 $0x7, v34  }
0x92: {  	v34 =	vcvt.s32.f32 v34;
	_ =	sdelay $0x1  }
0x93: {  	v34 =	vsub.f32 v34, v32;
	_ =	sdelay $0x1  }
0x94: {  	v34 =	vmul.f32 v34, v33;
	_ =	sdelay $0x1  }
0x95: {  	[tilespmem:v11+s25+$0x0] =	vst.idx.msk $0xffff, v34  }
0x96: {  	v34 =	vld [tilespmem:$0x4C0];
	_ =	sdelay $0x4  }
0x97: {  	v34 =	vand.u32 $0x7, v34  }
0x98: {  	v34 =	vcvt.s32.f32 v34;
	_ =	sdelay $0x1  }
0x99: {  	v34 =	vsub.f32 v34, v32;
	_ =	sdelay $0x1  }
0x9a: {  	v34 =	vmul.f32 v34, v33;
	_ =	sdelay $0x1  }
0x9b: {  	[tilespmem:v12+s25+$0x0] =	vst.idx.msk $0xffff, v34  }
0x9c: {  	v34 =	vld [tilespmem:$0x4D0];
	_ =	sdelay $0x4  }
0x9d: {  	v34 =	vand.u32 $0x7, v34  }
0x9e: {  	v34 =	vcvt.s32.f32 v34;
	_ =	sdelay $0x1  }
0x9f: {  	v34 =	vsub.f32 v34, v32;
	_ =	sdelay $0x1  }
0xa0: {  	v34 =	vmul.f32 v34, v33;
	_ =	sdelay $0x1  }
0xa1: {  	[tilespmem:v13+s25+$0x0] =	vst.idx.msk $0xffff, v34  }
0xa2: {  	v34 =	vld [tilespmem:$0x4E0];
	_ =	sdelay $0x4  }
0xa3: {  	v34 =	vand.u32 $0x7, v34  }
0xa4: {  	v34 =	vcvt.s32.f32 v34;
	_ =	sdelay $0x1  }
0xa5: {  	v34 =	vsub.f32 v34, v32;
	_ =	sdelay $0x1  }
0xa6: {  	v34 =	vmul.f32 v34, v33;
	_ =	sdelay $0x1  }
0xa7: {  	[tilespmem:v14+s25+$0x0] =	vst.idx.msk $0xffff, v34  }
0xa8: {  	v34 =	vld [tilespmem:$0x4F0];
	_ =	sdelay $0x4  }
0xa9: {  	v34 =	vand.u32 $0x7, v34  }
0xaa: {  	v34 =	vcvt.s32.f32 v34;
	_ =	sdelay $0x1  }
0xab: {  	v34 =	vsub.f32 v34, v32;
	_ =	sdelay $0x1  }
0xac: {  	v34 =	vmul.f32 v34, v33;
	_ =	sdelay $0x1  }
0xad: {  	[tilespmem:v15+s25+$0x0] =	vst.idx.msk $0xffff, v34  }
0xae: {  	v34 =	vld [tilespmem:$0x500];
	_ =	sdelay $0x4  }
0xaf: {  	v34 =	vand.u32 $0x7, v34  }
0xb0: {  	v34 =	vcvt.s32.f32 v34;
	_ =	sdelay $0x1  }
0xb1: {  	v34 =	vsub.f32 v34, v32;
	_ =	sdelay $0x1  }
0xb2: {  	v34 =	vmul.f32 v34, v33;
	_ =	sdelay $0x1  }
0xb3: {  	[tilespmem:v16+s25+$0x0] =	vst.idx.msk $0xffff, v34  }
0xb4: {  	v34 =	vld [tilespmem:$0x510];
	_ =	sdelay $0x4  }
0xb5: {  	v34 =	vand.u32 $0x7, v34  }
0xb6: {  	v34 =	vcvt.s32.f32 v34;
	_ =	sdelay $0x1  }
0xb7: {  	v34 =	vsub.f32 v34, v32;
	_ =	sdelay $0x1  }
0xb8: {  	v34 =	vmul.f32 v34, v33;
	_ =	sdelay $0x1  }
0xb9: {  	[tilespmem:v17+s25+$0x0] =	vst.idx.msk $0xffff, v34  }
0xba: {  	v34 =	vld [tilespmem:$0x520];
	_ =	sdelay $0x4  }
0xbb: {  	v34 =	vand.u32 $0x7, v34  }
0xbc: {  	v34 =	vcvt.s32.f32 v34;
	_ =	sdelay $0x1  }
0xbd: {  	v34 =	vsub.f32 v34, v32;
	_ =	sdelay $0x1  }
0xbe: {  	v34 =	vmul.f32 v34, v33;
	_ =	sdelay $0x1  }
0xbf: {  	[tilespmem:v18+s25+$0x0] =	vst.idx.msk $0xffff, v34  }
0xc0: {  	v34 =	vld [tilespmem:$0x530];
	_ =	sdelay $0x4  }
0xc1: {  	v34 =	vand.u32 $0x7, v34  }
0xc2: {  	v34 =	vcvt.s32.f32 v34;
	_ =	sdelay $0x1  }
0xc3: {  	v34 =	vsub.f32 v34, v32;
	_ =	sdelay $0x1  }
0xc4: {  	v34 =	vmul.f32 v34, v33;
	_ =	sdelay $0x1  }
0xc5: {  	[tilespmem:v19+s25+$0x0] =	vst.idx.msk $0xffff, v34  }
0xc6: {  	v34 =	vld [tilespmem:$0x540];
	_ =	sdelay $0x4  }
0xc7: {  	v34 =	vand.u32 $0x7, v34  }
0xc8: {  	v34 =	vcvt.s32.f32 v34;
	_ =	sdelay $0x1  }
0xc9: {  	v34 =	vsub.f32 v34, v32;
	_ =	sdelay $0x1  }
0xca: {  	v34 =	vmul.f32 v34, v33;
	_ =	sdelay $0x1  }
0xcb: {  	[tilespmem:v20+s25+$0x0] =	vst.idx.msk $0xffff, v34  }
0xcc: {  	v34 =	vld [tilespmem:$0x550];
	_ =	sdelay $0x4  }
0xcd: {  	v34 =	vand.u32 $0x7, v34  }
0xce: {  	v34 =	vcvt.s32.f32 v34;
	_ =	sdelay $0x1  }
0xcf: {  	v34 =	vsub.f32 v34, v32;
	_ =	sdelay $0x1  }
0xd0: {  	v34 =	vmul.f32 v34, v33;
	_ =	sdelay $0x1  }
0xd1: {  	[tilespmem:v21+s25+$0x0] =	vst.idx.msk $0xffff, v34  }
0xd2: {  	v34 =	vld [tilespmem:$0x560];
	_ =	sdelay $0x4  }
0xd3: {  	v34 =	vand.u32 $0x7, v34  }
0xd4: {  	v34 =	vcvt.s32.f32 v34;
	_ =	sdelay $0x1  }
0xd5: {  	v34 =	vsub.f32 v34, v32;
	_ =	sdelay $0x1  }
0xd6: {  	v34 =	vmul.f32 v34, v33;
	_ =	sdelay $0x1  }
0xd7: {  	[tilespmem:v22+s25+$0x0] =	vst.idx.msk $0xffff, v34  }
0xd8: {  	v34 =	vld [tilespmem:$0x570];
	_ =	sdelay $0x4  }
0xd9: {  	v34 =	vand.u32 $0x7, v34  }
0xda: {  	v34 =	vcvt.s32.f32 v34;
	_ =	sdelay $0x1  }
0xdb: {  	v34 =	vsub.f32 v34, v32;
	_ =	sdelay $0x1  }
0xdc: {  	v34 =	vmul.f32 v34, v33;
	_ =	sdelay $0x1  }
0xdd: {  	[tilespmem:v23+s25+$0x0] =	vst.idx.msk $0xffff, v34  }
0xde: {  	v34 =	vld [tilespmem:$0x580];
	_ =	sdelay $0x4  }
0xdf: {  	v34 =	vand.u32 $0x7, v34  }
0xe0: {  	v34 =	vcvt.s32.f32 v34;
	_ =	sdelay $0x1  }
0xe1: {  	v34 =	vsub.f32 v34, v32;
	_ =	sdelay $0x1  }
0xe2: {  	v34 =	vmul.f32 v34, v33;
	_ =	sdelay $0x1  }
0xe3: {  	[tilespmem:v24+s25+$0x0] =	vst.idx.msk $0xffff, v34  }
0xe4: {  	v34 =	vld [tilespmem:$0x590];
	_ =	sdelay $0x4  }
0xe5: {  	v34 =	vand.u32 $0x7, v34  }
0xe6: {  	v34 =	vcvt.s32.f32 v34;
	_ =	sdelay $0x1  }
0xe7: {  	v34 =	vsub.f32 v34, v32;
	_ =	sdelay $0x1  }
0xe8: {  	v34 =	vmul.f32 v34, v33;
	_ =	sdelay $0x1  }
0xe9: {  	[tilespmem:v25+s25+$0x0] =	vst.idx.msk $0xffff, v34  }
0xea: {  	v34 =	vld [tilespmem:$0x5A0];
	_ =	sdelay $0x4  }
0xeb: {  	v34 =	vand.u32 $0x7, v34  }
0xec: {  	v34 =	vcvt.s32.f32 v34;
	_ =	sdelay $0x1  }
0xed: {  	v34 =	vsub.f32 v34, v32;
	_ =	sdelay $0x1  }
0xee: {  	v34 =	vmul.f32 v34, v33;
	_ =	sdelay $0x1  }
0xef: {  	[tilespmem:v26+s25+$0x0] =	vst.idx.msk $0xffff, v34  }
0xf0: {  	v34 =	vld [tilespmem:$0x5B0];
	_ =	sdelay $0x4  }
0xf1: {  	v34 =	vand.u32 $0x7, v34  }
0xf2: {  	v34 =	vcvt.s32.f32 v34;
	_ =	sdelay $0x1  }
0xf3: {  	v34 =	vsub.f32 v34, v32;
	_ =	sdelay $0x1  }
0xf4: {  	v34 =	vmul.f32 v34, v33;
	_ =	sdelay $0x1  }
0xf5: {  	[tilespmem:v27+s25+$0x0] =	vst.idx.msk $0xffff, v34  }
0xf6: {  	v34 =	vld [tilespmem:$0x5C0];
	_ =	sdelay $0x4  }
0xf7: {  	v34 =	vand.u32 $0x7, v34  }
0xf8: {  	v34 =	vcvt.s32.f32 v34;
	_ =	sdelay $0x1  }
0xf9: {  	v34 =	vsub.f32 v34, v32;
	_ =	sdelay $0x1  }
0xfa: {  	v34 =	vmul.f32 v34, v33;
	_ =	sdelay $0x1  }
0xfb: {  	[tilespmem:v28+s25+$0x0] =	vst.idx.msk $0xffff, v34  }
0xfc: {  	v34 =	vld [tilespmem:$0x5D0];
	_ =	sdelay $0x4  }
0xfd: {  	v34 =	vand.u32 $0x7, v34  }
0xfe: {  	v34 =	vcvt.s32.f32 v34;
	_ =	sdelay $0x1  }
0xff: {  	v34 =	vsub.f32 v34, v32;
	_ =	sdelay $0x1  }
0x100: {  	v34 =	vmul.f32 v34, v33;
	_ =	sdelay $0x1  }
0x101: {  	[tilespmem:v29+s25+$0x0] =	vst.idx.msk $0xffff, v34  }
0x102: {  	v34 =	vld [tilespmem:$0x5E0];
	_ =	sdelay $0x4  }
0x103: {  	v34 =	vand.u32 $0x7, v34  }
0x104: {  	v34 =	vcvt.s32.f32 v34;
	_ =	sdelay $0x1  }
0x105: {  	v34 =	vsub.f32 v34, v32;
	_ =	sdelay $0x1  }
0x106: {  	v34 =	vmul.f32 v34, v33;
	_ =	sdelay $0x1  }
0x107: {  	[tilespmem:v30+s25+$0x0] =	vst.idx.msk $0xffff, v34  }
0x108: {  	v34 =	vld [tilespmem:$0x5F0];
	_ =	sdelay $0x4  }
0x109: {  	v34 =	vand.u32 $0x7, v34  }
0x10a: {  	v34 =	vcvt.s32.f32 v34;
	_ =	sdelay $0x1  }
0x10b: {  	v32 =	vsub.f32 v34, v32;
	_ =	sdelay $0x1  }
0x10c: {  	v32 =	vmul.f32 v32, v33;
	_ =	sdelay $0x1  }
0x10d: {  	[tilespmem:v31+s25+$0x0] =	vst.idx.msk $0xffff, v32  }
0x10e: {  	_ =	swait.ge [sflag:s26], $0x1000  }
0x10f: {  	[sflag:s26] =	ssyncset.done $0x0  }
0x110: {  	[sflag:s26] =	ssyncadd.s32 $0xFFFFF000  }
0x111: {  	_ =	swait.ge [sflag:s26], $0x1000  }
0x112: {  	[sflag:s26] =	ssyncset.done $0x0  }
0x113: {  	[sflag:s26] =	ssyncadd.s32 $0xFFFFF000  }
0x114: {  	_ =	swait.ge [sflag:s26], $0x1000  }
0x115: {  	[sflag:s26] =	ssyncset.done $0x0  }
0x116: {  	[sflag:s26] =	ssyncadd.s32 $0xFFFFF000  }
0x117: {  	_ =	swait.ge [sflag:s26], $0x1000  }
0x118: {  	[sflag:s26] =	ssyncset.done $0x0  }
0x119: {  	[sflag:s26] =	ssyncadd.s32 $0xFFFFF000  }
0x11a: {  	_ =	swait.ge [sflag:s26], $0x1000  }
0x11b: {  	[sflag:s26] =	ssyncset.done $0x0  }
0x11c: {  	[sflag:s26] =	ssyncadd.s32 $0xFFFFF000  }
0x11d: {  	_ =	swait.ge [sflag:s26], $0x1000  }
0x11e: {  	[sflag:s26] =	ssyncset.done $0x0  }
0x11f: {  	[sflag:s26] =	ssyncadd.s32 $0xFFFFF000  }
0x120: {  	_ =	swait.ge [sflag:s26], $0x1000  }
0x121: {  	[sflag:s26] =	ssyncset.done $0x0  }
0x122: {  	[sflag:s26] =	ssyncadd.s32 $0xFFFFF000  }
0x123: {  	_ =	swait.ge [sflag:s26], $0x1000  }
0x124: {  	[sflag:s26] =	ssyncset.done $0x0  }
0x125: {  	[sflag:s26] =	ssyncadd.s32 $0xFFFFF000  }
0x126: {  	_ =	swait.ge [sflag:s26], $0x2000  }
0x127: {  	[sflag:s26] =	ssyncset.done $0x0  }
0x128: {  	[sflag:s26] =	ssyncadd.s32 $0xFFFFE000  }
0x129: {  	_ =	swait.ge [sflag:s26], $0x2000  }
0x12a: {  	[sflag:s26] =	ssyncset.done $0x0  }
0x12b: {  	[sflag:s26] =	ssyncadd.s32 $0xFFFFE000  }
0x12c: {  	_ =	swait.ge [sflag:s26], $0x2000  }
0x12d: {  	[sflag:s26] =	ssyncset.done $0x0  }
0x12e: {  	[sflag:s26] =	ssyncadd.s32 $0xFFFFE000  }
0x12f: {  	_ =	swait.ge [sflag:s26], $0x2000  }
0x130: {  	[sflag:s26] =	ssyncset.done $0x0  }
0x131: {  	[sflag:s26] =	ssyncadd.s32 $0xFFFFE000  }
0x132: {  	[hbm4b:s3+s28] =	stream.strided.scatter [tilespmem:s12], [sflag:$0x2], $0x4000, s29, s28, $0x38;
	[tilespmem:$0x11620] =	vst v63  }
0x133: {  	s14 =	rddreg [dreg:$0xd]  }
0x134: {  	[hbm4b:s14+s28] =	stream.strided.scatter [tilespmem:s13], [sflag:$0x2], $0x4000, s29, s28, $0x38;
	[tilespmem:$0x11620] =	vst v63  }
0x135: {  	s15 =	rddreg [dreg:$0xe]  }
0x136: {  	[hbm4b:s15+s30] =	stream.strided.scatter [tilespmem:s16], [sflag:$0x2], $0x8000, s29, s30, $0x38;
	[tilespmem:$0x11620] =	vst v63  }
0x137: {  	s17 =	rddreg [dreg:$0xf]  }
0x138: {  	[hbm4b:s17+s31] =	stream.strided.scatter [tilespmem:s25], [sflag:$0x2], $0x1000, s29, s31, $0x38;
	[tilespmem:$0x11620] =	vst v63  }
0x139: {  	_ =	swait.ge [sflag:s1], $0x4000  }
0x13a: {  	[sflag:s1] =	ssyncset.done $0x0  }
0x13b: {  	[sflag:s1] =	ssyncadd.s32 $0xFFFFC000  }
0x13c: {  	_ =	swait.ge [sflag:s1], $0x4000  }
0x13d: {  	[sflag:s1] =	ssyncset.done $0x0  }
0x13e: {  	[sflag:s1] =	ssyncadd.s32 $0xFFFFC000  }
0x13f: {  	p0 =	sne.s32 s7, $0x1;
	_ =	swait.ge [sflag:s1], $0x8000  }
.Ltmp0:
0x140: {  	[sflag:s1] =	ssyncset.done $0x0;
	(pc) =	sbr.rel @p0 .LBB2_1-.Ltmp0, $4  }
0x141: {  	[sflag:s1] =	ssyncadd.s32 $0xFFFF8000  }
0x142: {  	_ =	swait.ge [sflag:s1], $0x1000  }
0x143: {  	[sflag:s1] =	ssyncset.done $0x0  }
0x144: {  	s7 =	sadd.s32 $0xFFFFFFFF, s7;
	[sflag:s1] =	ssyncadd.s32 $0xFFFFF000  }
0x145: {  	_ =	sfence.sel $0x180000  }
0x146: {  	[bflag:$0x0] =	sbarrier.arrive $0xFFFF  }
0x147: {  	_ =	strace $0x90000047  }
0x148: {  	s0 =	stileid.u32;
	[bflag:$0x2] =	sbarrier.arrive $0xFFFF  }
0x149: {  	p0 =	sne.s32 s0, $0x0;
	s0 =	rddreg [dreg:$0x7]  }
0x14a: {  	s0 =	sadd.s32 @!p0 $0x100000, s0  }
0x14b: {  	[sflag:s0] =	ssyncadd.tile.s32 @!p0 $0x1;
	_ =	shalt  }
.Lfunc_end2:
_tile_overlayer_lowered:
.L_overlay_start_2:
0x14c: {  	(tag) =	ssettag $0x2  }
0x14d: {  	s0 =	rddreg [dreg:$0x0];
	s2 =	stileid.u32  }
0x14e: {  	s1 =	rddreg [dreg:$0x1];
	p0 =	sne.s32 s2, $0x0  }
0x14f: {  	s3 =	rddreg [dreg:$0x2];
	[bflag:$0x3] =	sbarrier.arrive $0xFFFF;
	s2 =	simm.s32 @!p0 $0x1C03  }
0x150: {  	[timem:s3], [sflag:s2] =	dma.local @!p0 [hbm:s0], s1  }
0x151: {  	s0 =	simm.s32 @!p0 $0x3  }
0x152: {  	_ =	swait.ge @!p0 [sflag:s0], s1  }
0x153: {  	s1 =	ssub.s32 @!p0 $0x0, s1;
	[sflag:s0] =	ssyncset.done @!p0 $0x0  }
0x154: {  	[sflag:s0] =	ssyncadd.s32 @!p0 s1  }
0x155: {  	[bflag:$0x3] =	sbarrier.arrive $0xFFFF  }
0x156: {  	_ =	shalt  }

</sc_bundles>
